<compile_context>
chip_gen: v7x
topology: tpu7x:2x2x1
jax: 0.10.2.dev20260603
libtpu: 0.0.44.dev20260713+nightly
codegen_flags: <defaults>
</compile_context>

<pallas_src>
import functools

import jax
import jax.numpy as jnp
from jax import lax
from jax.experimental import pallas as pl
from jax.experimental.pallas import tpu as pltpu
from jax.experimental.pallas import tpu_sc as plsc

_DIM = 64
_SCALE = 8.0
_COLS_BLOCK = 8192


def _transform_body(tt_ref, out_ref):
    pos = lax.broadcasted_iota(jnp.int32, (_COLS_BLOCK, _DIM), 1).astype(jnp.float32) + 1.0
    out_ref[:, : _DIM] = tt_ref[...].T * _SCALE + pos


def _transform(table_t):
    vocab = table_t.shape[1]
    return pl.pallas_call(
        _transform_body,
        grid=((vocab + _COLS_BLOCK - 1) // _COLS_BLOCK,),
        in_specs=[pl.BlockSpec((_DIM, _COLS_BLOCK), lambda i: (0, i))],
        out_specs=pl.BlockSpec((_COLS_BLOCK, 2 * _DIM), lambda i: (i, 0)),
        out_shape=jax.ShapeDtypeStruct((vocab, 2 * _DIM), jnp.float32),
    )(table_t)


_TB = 512


def _format_body(in_ref, out_ref):
    seq2 = in_ref.shape[0] // _TB
    inr = in_ref[...].reshape(_TB, seq2, 2 * _DIM)
    for l2 in range(seq2):
        st = inr[:, l2, :].T
        out_ref[0, 2 * l2] = st[:_DIM]
        out_ref[0, 2 * l2 + 1] = st[_DIM:]


def _format(lin2, batch, seq):
    return pl.pallas_call(
        _format_body,
        grid=(batch // _TB,),
        in_specs=[pl.BlockSpec((_TB * seq // 2, 2 * _DIM), lambda i: (i, 0))],
        out_specs=pl.BlockSpec((1, seq, _DIM, _TB), lambda i: (0, 0, 0, i)),
        out_shape=jax.ShapeDtypeStruct((1, seq, _DIM, batch), jnp.float32),
    )(lin2)


@functools.lru_cache(maxsize=None)
def _make_gather(batch, seq, vocab):
    info = plsc.get_sparse_core_info()
    nc, ns = info.num_cores, info.num_subcores
    nw = nc * ns
    rows = batch * seq
    rpw = rows // nw
    gchunk = 128
    chunk = 256
    nchunks = rpw // chunk
    nbuf = 4
    mesh = plsc.VectorSubcoreMesh(core_axis_name="c", subcore_axis_name="s")

    @functools.partial(
        pl.kernel,
        mesh=mesh,
        compiler_params=pltpu.CompilerParams(use_tc_tiling_on_sc=False),
        out_type=jax.ShapeDtypeStruct((rows, _DIM), jnp.float32),
        scratch_types=[
            pltpu.VMEM((2 * nchunks, gchunk), jnp.int32),
        ]
        + [pltpu.VMEM((chunk, _DIM), jnp.float32)] * nbuf
        + [pltpu.SemaphoreType.DMA] * (2 * nbuf),
    )
    def k(idx_hbm, table_hbm, out_hbm, idx_v, *bufs_sems):
        bufs = bufs_sems[:nbuf]
        gs = bufs_sems[nbuf : 2 * nbuf]
        ws = bufs_sems[2 * nbuf :]
        wid = lax.axis_index("s") * nc + lax.axis_index("c")
        r0 = wid * rpw
        pltpu.sync_copy(idx_hbm.at[wid], idx_v)

        def start_gather(j, p):
            pltpu.async_copy(
                table_hbm.at[idx_v.at[2 * j]], bufs[p].at[pl.ds(0, gchunk)], gs[p])
            pltpu.async_copy(
                table_hbm.at[idx_v.at[2 * j + 1]], bufs[p].at[pl.ds(gchunk, gchunk)],
                gs[p])

        def wait_gather(j, p):
            pltpu.make_async_copy(
                table_hbm.at[idx_v.at[2 * j]], bufs[p].at[pl.ds(0, gchunk)], gs[p]
            ).wait()
            pltpu.make_async_copy(
                table_hbm.at[idx_v.at[2 * j + 1]], bufs[p].at[pl.ds(gchunk, gchunk)],
                gs[p]).wait()

        def start_write(j, p):
            pltpu.async_copy(bufs[p], out_hbm.at[pl.ds(r0 + j * chunk, chunk)], ws[p])

        def wait_write(j, p):
            pltpu.make_async_copy(
                bufs[p], out_hbm.at[pl.ds(r0 + j * chunk, chunk)], ws[p]
            ).wait()

        start_gather(0, 0)
        start_gather(1, 1)

        def body(j4, carry):
            for p in range(nbuf):
                j = nbuf * j4 + p
                wait_gather(j, p)
                start_write(j, p)
                q = (p + 2) % nbuf

                @pl.when(j + 2 < nchunks)
                def _():
                    @pl.when(j >= 2)
                    def _():
                        wait_write(j - 2, q)

                    start_gather(j + 2, q)

            return carry

        lax.fori_loop(0, nchunks // nbuf, body, 0)
        for jt in range(nbuf * (nchunks // nbuf), nchunks):
            wait_gather(jt, jt % nbuf)
            start_write(jt, jt % nbuf)
        for p in range(nbuf):
            j = nchunks - nbuf + p
            wait_write(j, j % nbuf)

    return k


def kernel(x, table):
    b, l = x.shape
    nw = plsc.get_sparse_core_info().num_cores * plsc.get_sparse_core_info().num_subcores
    idx = (x.astype(jnp.int32) * 2).reshape(nw, -1, 128)
    table2 = _transform(table.T).reshape(2 * table.shape[0], _DIM)
    out = _make_gather(b, l, 2 * table.shape[0])(idx, table2)
    t4 = _format(out.reshape(b * l // 2, 2 * _DIM), b, l)
    return t4.transpose(0, 3, 1, 2)

# --- scband reference (transcript-rebuilt; emitter-appended) ---
"""Pipeline reference for scband-positional-embedding-30142080483661 (READ-ONLY COPY).

The authoritative reference and input builder live on the scoring server;
editing this copy changes nothing except your own understanding.
"""

import jax, jax.numpy as jnp
import numpy as np

VOCAB = 100000
EMBED_DIM = 64
BATCH = 4096
SEQ = 50

def setup_inputs(seed: int = 0) -> dict:
    key = jax.random.key(seed)
    k1, k2 = jax.random.split(key)
    x = jax.random.randint(k1, (BATCH, SEQ), 0, VOCAB, dtype=jnp.int64 if jax.config.jax_enable_x64 else jnp.int32)
    table = jax.random.normal(k2, (VOCAB, EMBED_DIM), dtype=jnp.float32) * 0.02
    return {"x": x, "table": table}

def reference(x, table):
    # embedding lookup (gather)
    emb = jnp.take(table, x, axis=0)  # [B, L, D]
    # scale by sqrt(d_model); original casts d_model to the layer dtype before sqrt,
    # faithfully computed here as a float scalar
    emb = emb * jnp.sqrt(jnp.asarray(EMBED_DIM, dtype=jnp.float32))
    # positional 'embedding' as per original call(): range(1, embed_dim+1) broadcast
    # with shape [1,1,1,D]; broadcasting against [B,L,D] yields [1,B,L,D] as in TF
    pos_emb = jnp.arange(1, EMBED_DIM + 1, dtype=jnp.float32)[None, None, None, :]
    return emb + pos_emb

if __name__ == "__main__":
    import jax
    _d = setup_inputs()
    print(jax.jit(kernel)(*tuple(_d.values())))

</pallas_src>

<mosaic_0001>
#map = affine_map<(d0, d1) -> (0, 0, 0)>
#map1 = affine_map<(d0, d1) -> (0, 0)>
module attributes {stable_mosaic.version = 14 : i64} {
  func.func @k(%arg0: i32, %arg1: i32, %arg2: memref<32x50x128xi32, #tpu.memory_space<hbm>>, %arg3: memref<200000x64xf32, #tpu.memory_space<hbm>>, %arg4: memref<204800x64xf32, #tpu.memory_space<hbm>>, %arg5: memref<50x128xi32, #tpu.memory_space<vmem>>, %arg6: memref<256x64xf32, #tpu.memory_space<vmem>>, %arg7: memref<256x64xf32, #tpu.memory_space<vmem>>, %arg8: memref<256x64xf32, #tpu.memory_space<vmem>>, %arg9: memref<256x64xf32, #tpu.memory_space<vmem>>, %arg10: memref<!tpu.dma_semaphore, #tpu.memory_space<semaphore_mem>>, %arg11: memref<!tpu.dma_semaphore, #tpu.memory_space<semaphore_mem>>, %arg12: memref<!tpu.dma_semaphore, #tpu.memory_space<semaphore_mem>>, %arg13: memref<!tpu.dma_semaphore, #tpu.memory_space<semaphore_mem>>, %arg14: memref<!tpu.dma_semaphore, #tpu.memory_space<semaphore_mem>>, %arg15: memref<!tpu.dma_semaphore, #tpu.memory_space<semaphore_mem>>, %arg16: memref<!tpu.dma_semaphore, #tpu.memory_space<semaphore_mem>>, %arg17: memref<!tpu.dma_semaphore, #tpu.memory_space<semaphore_mem>>) attributes {dimension_semantics = [#tpu.dimension_semantics<core_parallel>, #tpu.dimension_semantics<subcore_parallel>], iteration_bounds = array<i64: 2, 16>, scalar_prefetch = 0 : i64, scratch_operands = 13 : i64, tpu.core_type = #tpu.core_type<sc_vector_subcore>, window_params = [{transform_indices = #map}, {transform_indices = #map1}, {transform_indices = #map1}]} {
    %mul3A = arith.constant 2 : i32
    %mul3A_0 = arith.muli %arg1, %mul3A : i32
    %add3A = arith.addi %mul3A_0, %arg0 : i32
    %mul3A_1 = arith.constant 6400 : i32
    %mul3A_2 = arith.muli %add3A, %mul3A_1 : i32
    "tpu.region"() ({
      %run_scoped3A = tpu.sem_alloc : memref<!tpu.dma_semaphore, #tpu.memory_space<semaphore_mem>>
      %dma_start3A_96 = arith.constant 0 : i32
      %dma_start3A_97 = arith.constant 0 : i32
      %dma_start3A_98 = tpu.memref_slice %arg2[%add3A, %dma_start3A_96, %dma_start3A_97] : memref<32x50x128xi32, #tpu.memory_space<hbm>> -> memref<1x50x128xi32, #tpu.memory_space<hbm>>
      %dma_start3A_99 = tpu.memref_squeeze %dma_start3A_98 : memref<1x50x128xi32, #tpu.memory_space<hbm>> -> memref<50x128xi32, #tpu.memory_space<hbm>>
      %dma_start3A_100 = arith.constant 0 : i32
      %dma_start3A_101 = arith.constant 0 : i32
      %dma_start3A_102 = tpu.memref_slice %arg2[%add3A, %dma_start3A_100, %dma_start3A_101] : memref<32x50x128xi32, #tpu.memory_space<hbm>> -> memref<1x50x128xi32, #tpu.memory_space<hbm>>
      %dma_start3A_103 = tpu.memref_squeeze %dma_start3A_102 : memref<1x50x128xi32, #tpu.memory_space<hbm>> -> memref<50x128xi32, #tpu.memory_space<hbm>>
      tpu.enqueue_dma source(%dma_start3A_103 : memref<50x128xi32, #tpu.memory_space<hbm>>) target(%arg5 : memref<50x128xi32, #tpu.memory_space<vmem>>) target_semaphore(%run_scoped3A : memref<!tpu.dma_semaphore, #tpu.memory_space<semaphore_mem>>)
      %dma_wait3A_104 = arith.constant 0 : i32
      %dma_wait3A_105 = arith.constant 0 : i32
      %dma_wait3A_106 = tpu.memref_slice %arg2[%add3A, %dma_wait3A_104, %dma_wait3A_105] : memref<32x50x128xi32, #tpu.memory_space<hbm>> -> memref<1x50x128xi32, #tpu.memory_space<hbm>>
      %dma_wait3A_107 = tpu.memref_squeeze %dma_wait3A_106 : memref<1x50x128xi32, #tpu.memory_space<hbm>> -> memref<50x128xi32, #tpu.memory_space<hbm>>
      %dma_wait3A_108 = arith.constant 0 : i32
      %dma_wait3A_109 = arith.constant 0 : i32
      %dma_wait3A_110 = tpu.memref_slice %arg2[%add3A, %dma_wait3A_108, %dma_wait3A_109] : memref<32x50x128xi32, #tpu.memory_space<hbm>> -> memref<1x50x128xi32, #tpu.memory_space<hbm>>
      %dma_wait3A_111 = tpu.memref_squeeze %dma_wait3A_110 : memref<1x50x128xi32, #tpu.memory_space<hbm>> -> memref<50x128xi32, #tpu.memory_space<hbm>>
      tpu.wait_dma2 semaphore(%run_scoped3A : memref<!tpu.dma_semaphore, #tpu.memory_space<semaphore_mem>>) src(%dma_wait3A_111 : memref<50x128xi32, #tpu.memory_space<hbm>>) dst(%arg5 : memref<50x128xi32, #tpu.memory_space<vmem>>)
      tpu.yield
    }) : () -> ()
    %dma_start3A = arith.constant 0 : i32
    %dma_start3A_3 = arith.constant 0 : i32
    %dma_start3A_4 = arith.constant 0 : i32
    %dma_start3A_5 = tpu.memref_slice %arg6[%dma_start3A_3, %dma_start3A_4] : memref<256x64xf32, #tpu.memory_space<vmem>> -> memref<128x64xf32, #tpu.memory_space<vmem>>
    %dma_start3A_6 = arith.constant 0 : i32
    %dma_start3A_7 = tpu.memref_slice %arg5[%dma_start3A, %dma_start3A_6] : memref<50x128xi32, #tpu.memory_space<vmem>> -> memref<1x128xi32, #tpu.memory_space<vmem>>
    %dma_start3A_8 = tpu.memref_squeeze %dma_start3A_7 : memref<1x128xi32, #tpu.memory_space<vmem>> -> memref<128xi32, #tpu.memory_space<vmem>>
    %dma_start3A_9 = arith.constant 0 : i32
    %dma_start3A_10 = arith.constant 0 : i32
    %dma_start3A_11 = tpu.memref_slice %arg3[%dma_start3A_9, %dma_start3A_10] : memref<200000x64xf32, #tpu.memory_space<hbm>> -> memref<200000x64xf32, #tpu.memory_space<hbm>>
    tpu.enqueue_indirect_dma source(%dma_start3A_11 : memref<200000x64xf32, #tpu.memory_space<hbm>>) target(%dma_start3A_5 : memref<128x64xf32, #tpu.memory_space<vmem>>) offsets(%dma_start3A_8 : memref<128xi32, #tpu.memory_space<vmem>>) semaphore(%arg10 : memref<!tpu.dma_semaphore, #tpu.memory_space<semaphore_mem>>)
    %dma_start3A_12 = arith.constant 1 : i32
    %dma_start3A_13 = arith.constant 128 : i32
    %dma_start3A_14 = arith.constant 0 : i32
    %dma_start3A_15 = tpu.memref_slice %arg6[%dma_start3A_13, %dma_start3A_14] : memref<256x64xf32, #tpu.memory_space<vmem>> -> memref<128x64xf32, #tpu.memory_space<vmem>>
    %dma_start3A_16 = arith.constant 0 : i32
    %dma_start3A_17 = tpu.memref_slice %arg5[%dma_start3A_12, %dma_start3A_16] : memref<50x128xi32, #tpu.memory_space<vmem>> -> memref<1x128xi32, #tpu.memory_space<vmem>>
    %dma_start3A_18 = tpu.memref_squeeze %dma_start3A_17 : memref<1x128xi32, #tpu.memory_space<vmem>> -> memref<128xi32, #tpu.memory_space<vmem>>
    %dma_start3A_19 = arith.constant 0 : i32
    %dma_start3A_20 = arith.constant 0 : i32
    %dma_start3A_21 = tpu.memref_slice %arg3[%dma_start3A_19, %dma_start3A_20] : memref<200000x64xf32, #tpu.memory_space<hbm>> -> memref<200000x64xf32, #tpu.memory_space<hbm>>
    tpu.enqueue_indirect_dma source(%dma_start3A_21 : memref<200000x64xf32, #tpu.memory_space<hbm>>) target(%dma_start3A_15 : memref<128x64xf32, #tpu.memory_space<vmem>>) offsets(%dma_start3A_18 : memref<128xi32, #tpu.memory_space<vmem>>) semaphore(%arg10 : memref<!tpu.dma_semaphore, #tpu.memory_space<semaphore_mem>>)
    %dma_start3A_22 = arith.constant 2 : i32
    %dma_start3A_23 = arith.constant 0 : i32
    %dma_start3A_24 = arith.constant 0 : i32
    %dma_start3A_25 = tpu.memref_slice %arg7[%dma_start3A_23, %dma_start3A_24] : memref<256x64xf32, #tpu.memory_space<vmem>> -> memref<128x64xf32, #tpu.memory_space<vmem>>
    %dma_start3A_26 = arith.constant 0 : i32
    %dma_start3A_27 = tpu.memref_slice %arg5[%dma_start3A_22, %dma_start3A_26] : memref<50x128xi32, #tpu.memory_space<vmem>> -> memref<1x128xi32, #tpu.memory_space<vmem>>
    %dma_start3A_28 = tpu.memref_squeeze %dma_start3A_27 : memref<1x128xi32, #tpu.memory_space<vmem>> -> memref<128xi32, #tpu.memory_space<vmem>>
    %dma_start3A_29 = arith.constant 0 : i32
    %dma_start3A_30 = arith.constant 0 : i32
    %dma_start3A_31 = tpu.memref_slice %arg3[%dma_start3A_29, %dma_start3A_30] : memref<200000x64xf32, #tpu.memory_space<hbm>> -> memref<200000x64xf32, #tpu.memory_space<hbm>>
    tpu.enqueue_indirect_dma source(%dma_start3A_31 : memref<200000x64xf32, #tpu.memory_space<hbm>>) target(%dma_start3A_25 : memref<128x64xf32, #tpu.memory_space<vmem>>) offsets(%dma_start3A_28 : memref<128xi32, #tpu.memory_space<vmem>>) semaphore(%arg11 : memref<!tpu.dma_semaphore, #tpu.memory_space<semaphore_mem>>)
    %dma_start3A_32 = arith.constant 3 : i32
    %dma_start3A_33 = arith.constant 128 : i32
    %dma_start3A_34 = arith.constant 0 : i32
    %dma_start3A_35 = tpu.memref_slice %arg7[%dma_start3A_33, %dma_start3A_34] : memref<256x64xf32, #tpu.memory_space<vmem>> -> memref<128x64xf32, #tpu.memory_space<vmem>>
    %dma_start3A_36 = arith.constant 0 : i32
    %dma_start3A_37 = tpu.memref_slice %arg5[%dma_start3A_32, %dma_start3A_36] : memref<50x128xi32, #tpu.memory_space<vmem>> -> memref<1x128xi32, #tpu.memory_space<vmem>>
    %dma_start3A_38 = tpu.memref_squeeze %dma_start3A_37 : memref<1x128xi32, #tpu.memory_space<vmem>> -> memref<128xi32, #tpu.memory_space<vmem>>
    %dma_start3A_39 = arith.constant 0 : i32
    %dma_start3A_40 = arith.constant 0 : i32
    %dma_start3A_41 = tpu.memref_slice %arg3[%dma_start3A_39, %dma_start3A_40] : memref<200000x64xf32, #tpu.memory_space<hbm>> -> memref<200000x64xf32, #tpu.memory_space<hbm>>
    tpu.enqueue_indirect_dma source(%dma_start3A_41 : memref<200000x64xf32, #tpu.memory_space<hbm>>) target(%dma_start3A_35 : memref<128x64xf32, #tpu.memory_space<vmem>>) offsets(%dma_start3A_38 : memref<128xi32, #tpu.memory_space<vmem>>) semaphore(%arg11 : memref<!tpu.dma_semaphore, #tpu.memory_space<semaphore_mem>>)
    %scan3A = arith.constant 0 : i32
    %scan3A_42 = arith.constant 0 : i32
    %scan3A_43 = arith.constant 6 : i32
    %scan3A_44 = arith.addi %scan3A_42, %scan3A_43 : i32
    %scan3A_45 = arith.constant 1 : i32
    scf.for %scan3A_96 = %scan3A_42 to %scan3A_44 step %scan3A_45  : i32 {
      %mul3A_97 = arith.constant 4 : i32
      %mul3A_98 = arith.muli %mul3A_97, %scan3A_96 : i32
      %add3A_99 = arith.constant 0 : i32
      %add3A_100 = arith.addi %mul3A_98, %add3A_99 : i32
      %mul3A_101 = arith.constant 2 : i32
      %mul3A_102 = arith.muli %mul3A_101, %add3A_100 : i32
      %dma_wait3A_103 = arith.constant 0 : i32
      %dma_wait3A_104 = arith.constant 0 : i32
      %dma_wait3A_105 = tpu.memref_slice %arg6[%dma_wait3A_103, %dma_wait3A_104] : memref<256x64xf32, #tpu.memory_space<vmem>> -> memref<128x64xf32, #tpu.memory_space<vmem>>
      %dma_wait3A_106 = arith.constant 0 : i32
      %dma_wait3A_107 = tpu.memref_slice %arg5[%mul3A_102, %dma_wait3A_106] : memref<50x128xi32, #tpu.memory_space<vmem>> -> memref<1x128xi32, #tpu.memory_space<vmem>>
      %dma_wait3A_108 = tpu.memref_squeeze %dma_wait3A_107 : memref<1x128xi32, #tpu.memory_space<vmem>> -> memref<128xi32, #tpu.memory_space<vmem>>
      %dma_wait3A_109 = arith.constant 0 : i32
      %dma_wait3A_110 = arith.constant 0 : i32
      %dma_wait3A_111 = tpu.memref_slice %arg3[%dma_wait3A_109, %dma_wait3A_110] : memref<200000x64xf32, #tpu.memory_space<hbm>> -> memref<200000x64xf32, #tpu.memory_space<hbm>>
      tpu.wait_indirect_dma semaphore(%arg10 : memref<!tpu.dma_semaphore, #tpu.memory_space<semaphore_mem>>) src(%dma_wait3A_111 : memref<200000x64xf32, #tpu.memory_space<hbm>>) dst(%dma_wait3A_105 : memref<128x64xf32, #tpu.memory_space<vmem>>)
      %mul3A_112 = arith.constant 2 : i32
      %mul3A_113 = arith.muli %mul3A_112, %add3A_100 : i32
      %add3A_114 = arith.constant 1 : i32
      %add3A_115 = arith.addi %mul3A_113, %add3A_114 : i32
      %dma_wait3A_116 = arith.constant 128 : i32
      %dma_wait3A_117 = arith.constant 0 : i32
      %dma_wait3A_118 = tpu.memref_slice %arg6[%dma_wait3A_116, %dma_wait3A_117] : memref<256x64xf32, #tpu.memory_space<vmem>> -> memref<128x64xf32, #tpu.memory_space<vmem>>
      %dma_wait3A_119 = arith.constant 0 : i32
      %dma_wait3A_120 = tpu.memref_slice %arg5[%add3A_115, %dma_wait3A_119] : memref<50x128xi32, #tpu.memory_space<vmem>> -> memref<1x128xi32, #tpu.memory_space<vmem>>
      %dma_wait3A_121 = tpu.memref_squeeze %dma_wait3A_120 : memref<1x128xi32, #tpu.memory_space<vmem>> -> memref<128xi32, #tpu.memory_space<vmem>>
      %dma_wait3A_122 = arith.constant 0 : i32
      %dma_wait3A_123 = arith.constant 0 : i32
      %dma_wait3A_124 = tpu.memref_slice %arg3[%dma_wait3A_122, %dma_wait3A_123] : memref<200000x64xf32, #tpu.memory_space<hbm>> -> memref<200000x64xf32, #tpu.memory_space<hbm>>
      tpu.wait_indirect_dma semaphore(%arg10 : memref<!tpu.dma_semaphore, #tpu.memory_space<semaphore_mem>>) src(%dma_wait3A_124 : memref<200000x64xf32, #tpu.memory_space<hbm>>) dst(%dma_wait3A_118 : memref<128x64xf32, #tpu.memory_space<vmem>>)
      %mul3A_125 = arith.constant 256 : i32
      %mul3A_126 = arith.muli %add3A_100, %mul3A_125 : i32
      %add3A_127 = arith.addi %mul3A_2, %mul3A_126 : i32
      %dma_start3A_128 = arith.constant 0 : i32
      %dma_start3A_129 = tpu.memref_slice %arg4[%add3A_127, %dma_start3A_128] : memref<204800x64xf32, #tpu.memory_space<hbm>> -> memref<256x64xf32, #tpu.memory_space<hbm>>
      %dma_start3A_130 = arith.constant 0 : i32
      %dma_start3A_131 = tpu.memref_slice %arg4[%add3A_127, %dma_start3A_130] : memref<204800x64xf32, #tpu.memory_space<hbm>> -> memref<256x64xf32, #tpu.memory_space<hbm>>
      tpu.enqueue_dma source(%arg6 : memref<256x64xf32, #tpu.memory_space<vmem>>) target(%dma_start3A_131 : memref<256x64xf32, #tpu.memory_space<hbm>>) target_semaphore(%arg14 : memref<!tpu.dma_semaphore, #tpu.memory_space<semaphore_mem>>)
      %add3A_132 = arith.constant 2 : i32
      %add3A_133 = arith.addi %add3A_100, %add3A_132 : i32
      %lt3A = arith.constant 25 : i32
      %lt3A_134 = arith.cmpi slt, %add3A_133, %lt3A : i32
      %convert_element_type3A = arith.extui %lt3A_134 : i1 to i32
      %cond3A = arith.constant 0 : i32
      %cond3A_135 = arith.cmpi ne, %convert_element_type3A, %cond3A : i32
      scf.if %cond3A_135 {
        %ge3A = arith.constant 2 : i32
        %ge3A_262 = arith.cmpi sge, %add3A_100, %ge3A : i32
        %convert_element_type3A_263 = arith.extui %ge3A_262 : i1 to i32
        %cond3A_264 = arith.constant 0 : i32
        %cond3A_265 = arith.cmpi ne, %convert_element_type3A_263, %cond3A_264 : i32
        scf.if %cond3A_265 {
          %sub3A = arith.constant 2 : i32
          %sub3A_292 = arith.subi %add3A_100, %sub3A : i32
          %mul3A_293 = arith.constant 256 : i32
          %mul3A_294 = arith.muli %sub3A_292, %mul3A_293 : i32
          %add3A_295 = arith.addi %mul3A_2, %mul3A_294 : i32
          %dma_wait3A_296 = arith.constant 0 : i32
          %dma_wait3A_297 = tpu.memref_slice %arg4[%add3A_295, %dma_wait3A_296] : memref<204800x64xf32, #tpu.memory_space<hbm>> -> memref<256x64xf32, #tpu.memory_space<hbm>>
          %dma_wait3A_298 = arith.constant 0 : i32
          %dma_wait3A_299 = tpu.memref_slice %arg4[%add3A_295, %dma_wait3A_298] : memref<204800x64xf32, #tpu.memory_space<hbm>> -> memref<256x64xf32, #tpu.memory_space<hbm>>
          tpu.wait_dma2 semaphore(%arg16 : memref<!tpu.dma_semaphore, #tpu.memory_space<semaphore_mem>>) src(%arg8 : memref<256x64xf32, #tpu.memory_space<vmem>>) dst(%dma_wait3A_299 : memref<256x64xf32, #tpu.memory_space<hbm>>)
        } else {
        }
        %add3A_266 = arith.constant 2 : i32
        %add3A_267 = arith.addi %add3A_100, %add3A_266 : i32
        %mul3A_268 = arith.constant 2 : i32
        %mul3A_269 = arith.muli %mul3A_268, %add3A_267 : i32
        %dma_start3A_270 = arith.constant 0 : i32
        %dma_start3A_271 = arith.constant 0 : i32
        %dma_start3A_272 = tpu.memref_slice %arg8[%dma_start3A_270, %dma_start3A_271] : memref<256x64xf32, #tpu.memory_space<vmem>> -> memref<128x64xf32, #tpu.memory_space<vmem>>
        %dma_start3A_273 = arith.constant 0 : i32
        %dma_start3A_274 = tpu.memref_slice %arg5[%mul3A_269, %dma_start3A_273] : memref<50x128xi32, #tpu.memory_space<vmem>> -> memref<1x128xi32, #tpu.memory_space<vmem>>
        %dma_start3A_275 = tpu.memref_squeeze %dma_start3A_274 : memref<1x128xi32, #tpu.memory_space<vmem>> -> memref<128xi32, #tpu.memory_space<vmem>>
        %dma_start3A_276 = arith.constant 0 : i32
        %dma_start3A_277 = arith.constant 0 : i32
        %dma_start3A_278 = tpu.memref_slice %arg3[%dma_start3A_276, %dma_start3A_277] : memref<200000x64xf32, #tpu.memory_space<hbm>> -> memref<200000x64xf32, #tpu.memory_space<hbm>>
        tpu.enqueue_indirect_dma source(%dma_start3A_278 : memref<200000x64xf32, #tpu.memory_space<hbm>>) target(%dma_start3A_272 : memref<128x64xf32, #tpu.memory_space<vmem>>) offsets(%dma_start3A_275 : memref<128xi32, #tpu.memory_space<vmem>>) semaphore(%arg12 : memref<!tpu.dma_semaphore, #tpu.memory_space<semaphore_mem>>)
        %mul3A_279 = arith.constant 2 : i32
        %mul3A_280 = arith.muli %mul3A_279, %add3A_267 : i32
        %add3A_281 = arith.constant 1 : i32
        %add3A_282 = arith.addi %mul3A_280, %add3A_281 : i32
        %dma_start3A_283 = arith.constant 128 : i32
        %dma_start3A_284 = arith.constant 0 : i32
        %dma_start3A_285 = tpu.memref_slice %arg8[%dma_start3A_283, %dma_start3A_284] : memref<256x64xf32, #tpu.memory_space<vmem>> -> memref<128x64xf32, #tpu.memory_space<vmem>>
        %dma_start3A_286 = arith.constant 0 : i32
        %dma_start3A_287 = tpu.memref_slice %arg5[%add3A_282, %dma_start3A_286] : memref<50x128xi32, #tpu.memory_space<vmem>> -> memref<1x128xi32, #tpu.memory_space<vmem>>
        %dma_start3A_288 = tpu.memref_squeeze %dma_start3A_287 : memref<1x128xi32, #tpu.memory_space<vmem>> -> memref<128xi32, #tpu.memory_space<vmem>>
        %dma_start3A_289 = arith.constant 0 : i32
        %dma_start3A_290 = arith.constant 0 : i32
        %dma_start3A_291 = tpu.memref_slice %arg3[%dma_start3A_289, %dma_start3A_290] : memref<200000x64xf32, #tpu.memory_space<hbm>> -> memref<200000x64xf32, #tpu.memory_space<hbm>>
        tpu.enqueue_indirect_dma source(%dma_start3A_291 : memref<200000x64xf32, #tpu.memory_space<hbm>>) target(%dma_start3A_285 : memref<128x64xf32, #tpu.memory_space<vmem>>) offsets(%dma_start3A_288 : memref<128xi32, #tpu.memory_space<vmem>>) semaphore(%arg12 : memref<!tpu.dma_semaphore, #tpu.memory_space<semaphore_mem>>)
      } else {
      }
      %mul3A_136 = arith.constant 4 : i32
      %mul3A_137 = arith.muli %mul3A_136, %scan3A_96 : i32
      %add3A_138 = arith.constant 1 : i32
      %add3A_139 = arith.addi %mul3A_137, %add3A_138 : i32
      %mul3A_140 = arith.constant 2 : i32
      %mul3A_141 = arith.muli %mul3A_140, %add3A_139 : i32
      %dma_wait3A_142 = arith.constant 0 : i32
      %dma_wait3A_143 = arith.constant 0 : i32
      %dma_wait3A_144 = tpu.memref_slice %arg7[%dma_wait3A_142, %dma_wait3A_143] : memref<256x64xf32, #tpu.memory_space<vmem>> -> memref<128x64xf32, #tpu.memory_space<vmem>>
      %dma_wait3A_145 = arith.constant 0 : i32
      %dma_wait3A_146 = tpu.memref_slice %arg5[%mul3A_141, %dma_wait3A_145] : memref<50x128xi32, #tpu.memory_space<vmem>> -> memref<1x128xi32, #tpu.memory_space<vmem>>
      %dma_wait3A_147 = tpu.memref_squeeze %dma_wait3A_146 : memref<1x128xi32, #tpu.memory_space<vmem>> -> memref<128xi32, #tpu.memory_space<vmem>>
      %dma_wait3A_148 = arith.constant 0 : i32
      %dma_wait3A_149 = arith.constant 0 : i32
      %dma_wait3A_150 = tpu.memref_slice %arg3[%dma_wait3A_148, %dma_wait3A_149] : memref<200000x64xf32, #tpu.memory_space<hbm>> -> memref<200000x64xf32, #tpu.memory_space<hbm>>
      tpu.wait_indirect_dma semaphore(%arg11 : memref<!tpu.dma_semaphore, #tpu.memory_space<semaphore_mem>>) src(%dma_wait3A_150 : memref<200000x64xf32, #tpu.memory_space<hbm>>) dst(%dma_wait3A_144 : memref<128x64xf32, #tpu.memory_space<vmem>>)
      %mul3A_151 = arith.constant 2 : i32
      %mul3A_152 = arith.muli %mul3A_151, %add3A_139 : i32
      %add3A_153 = arith.constant 1 : i32
      %add3A_154 = arith.addi %mul3A_152, %add3A_153 : i32
      %dma_wait3A_155 = arith.constant 128 : i32
      %dma_wait3A_156 = arith.constant 0 : i32
      %dma_wait3A_157 = tpu.memref_slice %arg7[%dma_wait3A_155, %dma_wait3A_156] : memref<256x64xf32, #tpu.memory_space<vmem>> -> memref<128x64xf32, #tpu.memory_space<vmem>>
      %dma_wait3A_158 = arith.constant 0 : i32
      %dma_wait3A_159 = tpu.memref_slice %arg5[%add3A_154, %dma_wait3A_158] : memref<50x128xi32, #tpu.memory_space<vmem>> -> memref<1x128xi32, #tpu.memory_space<vmem>>
      %dma_wait3A_160 = tpu.memref_squeeze %dma_wait3A_159 : memref<1x128xi32, #tpu.memory_space<vmem>> -> memref<128xi32, #tpu.memory_space<vmem>>
      %dma_wait3A_161 = arith.constant 0 : i32
      %dma_wait3A_162 = arith.constant 0 : i32
      %dma_wait3A_163 = tpu.memref_slice %arg3[%dma_wait3A_161, %dma_wait3A_162] : memref<200000x64xf32, #tpu.memory_space<hbm>> -> memref<200000x64xf32, #tpu.memory_space<hbm>>
      tpu.wait_indirect_dma semaphore(%arg11 : memref<!tpu.dma_semaphore, #tpu.memory_space<semaphore_mem>>) src(%dma_wait3A_163 : memref<200000x64xf32, #tpu.memory_space<hbm>>) dst(%dma_wait3A_157 : memref<128x64xf32, #tpu.memory_space<vmem>>)
      %mul3A_164 = arith.constant 256 : i32
      %mul3A_165 = arith.muli %add3A_139, %mul3A_164 : i32
      %add3A_166 = arith.addi %mul3A_2, %mul3A_165 : i32
      %dma_start3A_167 = arith.constant 0 : i32
      %dma_start3A_168 = tpu.memref_slice %arg4[%add3A_166, %dma_start3A_167] : memref<204800x64xf32, #tpu.memory_space<hbm>> -> memref<256x64xf32, #tpu.memory_space<hbm>>
      %dma_start3A_169 = arith.constant 0 : i32
      %dma_start3A_170 = tpu.memref_slice %arg4[%add3A_166, %dma_start3A_169] : memref<204800x64xf32, #tpu.memory_space<hbm>> -> memref<256x64xf32, #tpu.memory_space<hbm>>
      tpu.enqueue_dma source(%arg7 : memref<256x64xf32, #tpu.memory_space<vmem>>) target(%dma_start3A_170 : memref<256x64xf32, #tpu.memory_space<hbm>>) target_semaphore(%arg15 : memref<!tpu.dma_semaphore, #tpu.memory_space<semaphore_mem>>)
      %add3A_171 = arith.constant 2 : i32
      %add3A_172 = arith.addi %add3A_139, %add3A_171 : i32
      %lt3A_173 = arith.constant 25 : i32
      %lt3A_174 = arith.cmpi slt, %add3A_172, %lt3A_173 : i32
      %convert_element_type3A_175 = arith.extui %lt3A_174 : i1 to i32
      %cond3A_176 = arith.constant 0 : i32
      %cond3A_177 = arith.cmpi ne, %convert_element_type3A_175, %cond3A_176 : i32
      scf.if %cond3A_177 {
        %ge3A = arith.constant 2 : i32
        %ge3A_262 = arith.cmpi sge, %add3A_139, %ge3A : i32
        %convert_element_type3A_263 = arith.extui %ge3A_262 : i1 to i32
        %cond3A_264 = arith.constant 0 : i32
        %cond3A_265 = arith.cmpi ne, %convert_element_type3A_263, %cond3A_264 : i32
        scf.if %cond3A_265 {
          %sub3A = arith.constant 2 : i32
          %sub3A_292 = arith.subi %add3A_139, %sub3A : i32
          %mul3A_293 = arith.constant 256 : i32
          %mul3A_294 = arith.muli %sub3A_292, %mul3A_293 : i32
          %add3A_295 = arith.addi %mul3A_2, %mul3A_294 : i32
          %dma_wait3A_296 = arith.constant 0 : i32
          %dma_wait3A_297 = tpu.memref_slice %arg4[%add3A_295, %dma_wait3A_296] : memref<204800x64xf32, #tpu.memory_space<hbm>> -> memref<256x64xf32, #tpu.memory_space<hbm>>
          %dma_wait3A_298 = arith.constant 0 : i32
          %dma_wait3A_299 = tpu.memref_slice %arg4[%add3A_295, %dma_wait3A_298] : memref<204800x64xf32, #tpu.memory_space<hbm>> -> memref<256x64xf32, #tpu.memory_space<hbm>>
          tpu.wait_dma2 semaphore(%arg17 : memref<!tpu.dma_semaphore, #tpu.memory_space<semaphore_mem>>) src(%arg9 : memref<256x64xf32, #tpu.memory_space<vmem>>) dst(%dma_wait3A_299 : memref<256x64xf32, #tpu.memory_space<hbm>>)
        } else {
        }
        %add3A_266 = arith.constant 2 : i32
        %add3A_267 = arith.addi %add3A_139, %add3A_266 : i32
        %mul3A_268 = arith.constant 2 : i32
        %mul3A_269 = arith.muli %mul3A_268, %add3A_267 : i32
        %dma_start3A_270 = arith.constant 0 : i32
        %dma_start3A_271 = arith.constant 0 : i32
        %dma_start3A_272 = tpu.memref_slice %arg9[%dma_start3A_270, %dma_start3A_271] : memref<256x64xf32, #tpu.memory_space<vmem>> -> memref<128x64xf32, #tpu.memory_space<vmem>>
        %dma_start3A_273 = arith.constant 0 : i32
        %dma_start3A_274 = tpu.memref_slice %arg5[%mul3A_269, %dma_start3A_273] : memref<50x128xi32, #tpu.memory_space<vmem>> -> memref<1x128xi32, #tpu.memory_space<vmem>>
        %dma_start3A_275 = tpu.memref_squeeze %dma_start3A_274 : memref<1x128xi32, #tpu.memory_space<vmem>> -> memref<128xi32, #tpu.memory_space<vmem>>
        %dma_start3A_276 = arith.constant 0 : i32
        %dma_start3A_277 = arith.constant 0 : i32
        %dma_start3A_278 = tpu.memref_slice %arg3[%dma_start3A_276, %dma_start3A_277] : memref<200000x64xf32, #tpu.memory_space<hbm>> -> memref<200000x64xf32, #tpu.memory_space<hbm>>
        tpu.enqueue_indirect_dma source(%dma_start3A_278 : memref<200000x64xf32, #tpu.memory_space<hbm>>) target(%dma_start3A_272 : memref<128x64xf32, #tpu.memory_space<vmem>>) offsets(%dma_start3A_275 : memref<128xi32, #tpu.memory_space<vmem>>) semaphore(%arg13 : memref<!tpu.dma_semaphore, #tpu.memory_space<semaphore_mem>>)
        %mul3A_279 = arith.constant 2 : i32
        %mul3A_280 = arith.muli %mul3A_279, %add3A_267 : i32
        %add3A_281 = arith.constant 1 : i32
        %add3A_282 = arith.addi %mul3A_280, %add3A_281 : i32
        %dma_start3A_283 = arith.constant 128 : i32
        %dma_start3A_284 = arith.constant 0 : i32
        %dma_start3A_285 = tpu.memref_slice %arg9[%dma_start3A_283, %dma_start3A_284] : memref<256x64xf32, #tpu.memory_space<vmem>> -> memref<128x64xf32, #tpu.memory_space<vmem>>
        %dma_start3A_286 = arith.constant 0 : i32
        %dma_start3A_287 = tpu.memref_slice %arg5[%add3A_282, %dma_start3A_286] : memref<50x128xi32, #tpu.memory_space<vmem>> -> memref<1x128xi32, #tpu.memory_space<vmem>>
        %dma_start3A_288 = tpu.memref_squeeze %dma_start3A_287 : memref<1x128xi32, #tpu.memory_space<vmem>> -> memref<128xi32, #tpu.memory_space<vmem>>
        %dma_start3A_289 = arith.constant 0 : i32
        %dma_start3A_290 = arith.constant 0 : i32
        %dma_start3A_291 = tpu.memref_slice %arg3[%dma_start3A_289, %dma_start3A_290] : memref<200000x64xf32, #tpu.memory_space<hbm>> -> memref<200000x64xf32, #tpu.memory_space<hbm>>
        tpu.enqueue_indirect_dma source(%dma_start3A_291 : memref<200000x64xf32, #tpu.memory_space<hbm>>) target(%dma_start3A_285 : memref<128x64xf32, #tpu.memory_space<vmem>>) offsets(%dma_start3A_288 : memref<128xi32, #tpu.memory_space<vmem>>) semaphore(%arg13 : memref<!tpu.dma_semaphore, #tpu.memory_space<semaphore_mem>>)
      } else {
      }
      %mul3A_178 = arith.constant 4 : i32
      %mul3A_179 = arith.muli %mul3A_178, %scan3A_96 : i32
      %add3A_180 = arith.constant 2 : i32
      %add3A_181 = arith.addi %mul3A_179, %add3A_180 : i32
      %mul3A_182 = arith.constant 2 : i32
      %mul3A_183 = arith.muli %mul3A_182, %add3A_181 : i32
      %dma_wait3A_184 = arith.constant 0 : i32
      %dma_wait3A_185 = arith.constant 0 : i32
      %dma_wait3A_186 = tpu.memref_slice %arg8[%dma_wait3A_184, %dma_wait3A_185] : memref<256x64xf32, #tpu.memory_space<vmem>> -> memref<128x64xf32, #tpu.memory_space<vmem>>
      %dma_wait3A_187 = arith.constant 0 : i32
      %dma_wait3A_188 = tpu.memref_slice %arg5[%mul3A_183, %dma_wait3A_187] : memref<50x128xi32, #tpu.memory_space<vmem>> -> memref<1x128xi32, #tpu.memory_space<vmem>>
      %dma_wait3A_189 = tpu.memref_squeeze %dma_wait3A_188 : memref<1x128xi32, #tpu.memory_space<vmem>> -> memref<128xi32, #tpu.memory_space<vmem>>
      %dma_wait3A_190 = arith.constant 0 : i32
      %dma_wait3A_191 = arith.constant 0 : i32
      %dma_wait3A_192 = tpu.memref_slice %arg3[%dma_wait3A_190, %dma_wait3A_191] : memref<200000x64xf32, #tpu.memory_space<hbm>> -> memref<200000x64xf32, #tpu.memory_space<hbm>>
      tpu.wait_indirect_dma semaphore(%arg12 : memref<!tpu.dma_semaphore, #tpu.memory_space<semaphore_mem>>) src(%dma_wait3A_192 : memref<200000x64xf32, #tpu.memory_space<hbm>>) dst(%dma_wait3A_186 : memref<128x64xf32, #tpu.memory_space<vmem>>)
      %mul3A_193 = arith.constant 2 : i32
      %mul3A_194 = arith.muli %mul3A_193, %add3A_181 : i32
      %add3A_195 = arith.constant 1 : i32
      %add3A_196 = arith.addi %mul3A_194, %add3A_195 : i32
      %dma_wait3A_197 = arith.constant 128 : i32
      %dma_wait3A_198 = arith.constant 0 : i32
      %dma_wait3A_199 = tpu.memref_slice %arg8[%dma_wait3A_197, %dma_wait3A_198] : memref<256x64xf32, #tpu.memory_space<vmem>> -> memref<128x64xf32, #tpu.memory_space<vmem>>
      %dma_wait3A_200 = arith.constant 0 : i32
      %dma_wait3A_201 = tpu.memref_slice %arg5[%add3A_196, %dma_wait3A_200] : memref<50x128xi32, #tpu.memory_space<vmem>> -> memref<1x128xi32, #tpu.memory_space<vmem>>
      %dma_wait3A_202 = tpu.memref_squeeze %dma_wait3A_201 : memref<1x128xi32, #tpu.memory_space<vmem>> -> memref<128xi32, #tpu.memory_space<vmem>>
      %dma_wait3A_203 = arith.constant 0 : i32
      %dma_wait3A_204 = arith.constant 0 : i32
      %dma_wait3A_205 = tpu.memref_slice %arg3[%dma_wait3A_203, %dma_wait3A_204] : memref<200000x64xf32, #tpu.memory_space<hbm>> -> memref<200000x64xf32, #tpu.memory_space<hbm>>
      tpu.wait_indirect_dma semaphore(%arg12 : memref<!tpu.dma_semaphore, #tpu.memory_space<semaphore_mem>>) src(%dma_wait3A_205 : memref<200000x64xf32, #tpu.memory_space<hbm>>) dst(%dma_wait3A_199 : memref<128x64xf32, #tpu.memory_space<vmem>>)
      %mul3A_206 = arith.constant 256 : i32
      %mul3A_207 = arith.muli %add3A_181, %mul3A_206 : i32
      %add3A_208 = arith.addi %mul3A_2, %mul3A_207 : i32
      %dma_start3A_209 = arith.constant 0 : i32
      %dma_start3A_210 = tpu.memref_slice %arg4[%add3A_208, %dma_start3A_209] : memref<204800x64xf32, #tpu.memory_space<hbm>> -> memref<256x64xf32, #tpu.memory_space<hbm>>
      %dma_start3A_211 = arith.constant 0 : i32
      %dma_start3A_212 = tpu.memref_slice %arg4[%add3A_208, %dma_start3A_211] : memref<204800x64xf32, #tpu.memory_space<hbm>> -> memref<256x64xf32, #tpu.memory_space<hbm>>
      tpu.enqueue_dma source(%arg8 : memref<256x64xf32, #tpu.memory_space<vmem>>) target(%dma_start3A_212 : memref<256x64xf32, #tpu.memory_space<hbm>>) target_semaphore(%arg16 : memref<!tpu.dma_semaphore, #tpu.memory_space<semaphore_mem>>)
      %add3A_213 = arith.constant 2 : i32
      %add3A_214 = arith.addi %add3A_181, %add3A_213 : i32
      %lt3A_215 = arith.constant 25 : i32
      %lt3A_216 = arith.cmpi slt, %add3A_214, %lt3A_215 : i32
      %convert_element_type3A_217 = arith.extui %lt3A_216 : i1 to i32
      %cond3A_218 = arith.constant 0 : i32
      %cond3A_219 = arith.cmpi ne, %convert_element_type3A_217, %cond3A_218 : i32
      scf.if %cond3A_219 {
        %ge3A = arith.constant 2 : i32
        %ge3A_262 = arith.cmpi sge, %add3A_181, %ge3A : i32
        %convert_element_type3A_263 = arith.extui %ge3A_262 : i1 to i32
        %cond3A_264 = arith.constant 0 : i32
        %cond3A_265 = arith.cmpi ne, %convert_element_type3A_263, %cond3A_264 : i32
        scf.if %cond3A_265 {
          %sub3A = arith.constant 2 : i32
          %sub3A_292 = arith.subi %add3A_181, %sub3A : i32
          %mul3A_293 = arith.constant 256 : i32
          %mul3A_294 = arith.muli %sub3A_292, %mul3A_293 : i32
          %add3A_295 = arith.addi %mul3A_2, %mul3A_294 : i32
          %dma_wait3A_296 = arith.constant 0 : i32
          %dma_wait3A_297 = tpu.memref_slice %arg4[%add3A_295, %dma_wait3A_296] : memref<204800x64xf32, #tpu.memory_space<hbm>> -> memref<256x64xf32, #tpu.memory_space<hbm>>
          %dma_wait3A_298 = arith.constant 0 : i32
          %dma_wait3A_299 = tpu.memref_slice %arg4[%add3A_295, %dma_wait3A_298] : memref<204800x64xf32, #tpu.memory_space<hbm>> -> memref<256x64xf32, #tpu.memory_space<hbm>>
          tpu.wait_dma2 semaphore(%arg14 : memref<!tpu.dma_semaphore, #tpu.memory_space<semaphore_mem>>) src(%arg6 : memref<256x64xf32, #tpu.memory_space<vmem>>) dst(%dma_wait3A_299 : memref<256x64xf32, #tpu.memory_space<hbm>>)
        } else {
        }
        %add3A_266 = arith.constant 2 : i32
        %add3A_267 = arith.addi %add3A_181, %add3A_266 : i32
        %mul3A_268 = arith.constant 2 : i32
        %mul3A_269 = arith.muli %mul3A_268, %add3A_267 : i32
        %dma_start3A_270 = arith.constant 0 : i32
        %dma_start3A_271 = arith.constant 0 : i32
        %dma_start3A_272 = tpu.memref_slice %arg6[%dma_start3A_270, %dma_start3A_271] : memref<256x64xf32, #tpu.memory_space<vmem>> -> memref<128x64xf32, #tpu.memory_space<vmem>>
        %dma_start3A_273 = arith.constant 0 : i32
        %dma_start3A_274 = tpu.memref_slice %arg5[%mul3A_269, %dma_start3A_273] : memref<50x128xi32, #tpu.memory_space<vmem>> -> memref<1x128xi32, #tpu.memory_space<vmem>>
        %dma_start3A_275 = tpu.memref_squeeze %dma_start3A_274 : memref<1x128xi32, #tpu.memory_space<vmem>> -> memref<128xi32, #tpu.memory_space<vmem>>
        %dma_start3A_276 = arith.constant 0 : i32
        %dma_start3A_277 = arith.constant 0 : i32
        %dma_start3A_278 = tpu.memref_slice %arg3[%dma_start3A_276, %dma_start3A_277] : memref<200000x64xf32, #tpu.memory_space<hbm>> -> memref<200000x64xf32, #tpu.memory_space<hbm>>
        tpu.enqueue_indirect_dma source(%dma_start3A_278 : memref<200000x64xf32, #tpu.memory_space<hbm>>) target(%dma_start3A_272 : memref<128x64xf32, #tpu.memory_space<vmem>>) offsets(%dma_start3A_275 : memref<128xi32, #tpu.memory_space<vmem>>) semaphore(%arg10 : memref<!tpu.dma_semaphore, #tpu.memory_space<semaphore_mem>>)
        %mul3A_279 = arith.constant 2 : i32
        %mul3A_280 = arith.muli %mul3A_279, %add3A_267 : i32
        %add3A_281 = arith.constant 1 : i32
        %add3A_282 = arith.addi %mul3A_280, %add3A_281 : i32
        %dma_start3A_283 = arith.constant 128 : i32
        %dma_start3A_284 = arith.constant 0 : i32
        %dma_start3A_285 = tpu.memref_slice %arg6[%dma_start3A_283, %dma_start3A_284] : memref<256x64xf32, #tpu.memory_space<vmem>> -> memref<128x64xf32, #tpu.memory_space<vmem>>
        %dma_start3A_286 = arith.constant 0 : i32
        %dma_start3A_287 = tpu.memref_slice %arg5[%add3A_282, %dma_start3A_286] : memref<50x128xi32, #tpu.memory_space<vmem>> -> memref<1x128xi32, #tpu.memory_space<vmem>>
        %dma_start3A_288 = tpu.memref_squeeze %dma_start3A_287 : memref<1x128xi32, #tpu.memory_space<vmem>> -> memref<128xi32, #tpu.memory_space<vmem>>
        %dma_start3A_289 = arith.constant 0 : i32
        %dma_start3A_290 = arith.constant 0 : i32
        %dma_start3A_291 = tpu.memref_slice %arg3[%dma_start3A_289, %dma_start3A_290] : memref<200000x64xf32, #tpu.memory_space<hbm>> -> memref<200000x64xf32, #tpu.memory_space<hbm>>
        tpu.enqueue_indirect_dma source(%dma_start3A_291 : memref<200000x64xf32, #tpu.memory_space<hbm>>) target(%dma_start3A_285 : memref<128x64xf32, #tpu.memory_space<vmem>>) offsets(%dma_start3A_288 : memref<128xi32, #tpu.memory_space<vmem>>) semaphore(%arg10 : memref<!tpu.dma_semaphore, #tpu.memory_space<semaphore_mem>>)
      } else {
      }
      %mul3A_220 = arith.constant 4 : i32
      %mul3A_221 = arith.muli %mul3A_220, %scan3A_96 : i32
      %add3A_222 = arith.constant 3 : i32
      %add3A_223 = arith.addi %mul3A_221, %add3A_222 : i32
      %mul3A_224 = arith.constant 2 : i32
      %mul3A_225 = arith.muli %mul3A_224, %add3A_223 : i32
      %dma_wait3A_226 = arith.constant 0 : i32
      %dma_wait3A_227 = arith.constant 0 : i32
      %dma_wait3A_228 = tpu.memref_slice %arg9[%dma_wait3A_226, %dma_wait3A_227] : memref<256x64xf32, #tpu.memory_space<vmem>> -> memref<128x64xf32, #tpu.memory_space<vmem>>
      %dma_wait3A_229 = arith.constant 0 : i32
      %dma_wait3A_230 = tpu.memref_slice %arg5[%mul3A_225, %dma_wait3A_229] : memref<50x128xi32, #tpu.memory_space<vmem>> -> memref<1x128xi32, #tpu.memory_space<vmem>>
      %dma_wait3A_231 = tpu.memref_squeeze %dma_wait3A_230 : memref<1x128xi32, #tpu.memory_space<vmem>> -> memref<128xi32, #tpu.memory_space<vmem>>
      %dma_wait3A_232 = arith.constant 0 : i32
      %dma_wait3A_233 = arith.constant 0 : i32
      %dma_wait3A_234 = tpu.memref_slice %arg3[%dma_wait3A_232, %dma_wait3A_233] : memref<200000x64xf32, #tpu.memory_space<hbm>> -> memref<200000x64xf32, #tpu.memory_space<hbm>>
      tpu.wait_indirect_dma semaphore(%arg13 : memref<!tpu.dma_semaphore, #tpu.memory_space<semaphore_mem>>) src(%dma_wait3A_234 : memref<200000x64xf32, #tpu.memory_space<hbm>>) dst(%dma_wait3A_228 : memref<128x64xf32, #tpu.memory_space<vmem>>)
      %mul3A_235 = arith.constant 2 : i32
      %mul3A_236 = arith.muli %mul3A_235, %add3A_223 : i32
      %add3A_237 = arith.constant 1 : i32
      %add3A_238 = arith.addi %mul3A_236, %add3A_237 : i32
      %dma_wait3A_239 = arith.constant 128 : i32
      %dma_wait3A_240 = arith.constant 0 : i32
      %dma_wait3A_241 = tpu.memref_slice %arg9[%dma_wait3A_239, %dma_wait3A_240] : memref<256x64xf32, #tpu.memory_space<vmem>> -> memref<128x64xf32, #tpu.memory_space<vmem>>
      %dma_wait3A_242 = arith.constant 0 : i32
      %dma_wait3A_243 = tpu.memref_slice %arg5[%add3A_238, %dma_wait3A_242] : memref<50x128xi32, #tpu.memory_space<vmem>> -> memref<1x128xi32, #tpu.memory_space<vmem>>
      %dma_wait3A_244 = tpu.memref_squeeze %dma_wait3A_243 : memref<1x128xi32, #tpu.memory_space<vmem>> -> memref<128xi32, #tpu.memory_space<vmem>>
      %dma_wait3A_245 = arith.constant 0 : i32
      %dma_wait3A_246 = arith.constant 0 : i32
      %dma_wait3A_247 = tpu.memref_slice %arg3[%dma_wait3A_245, %dma_wait3A_246] : memref<200000x64xf32, #tpu.memory_space<hbm>> -> memref<200000x64xf32, #tpu.memory_space<hbm>>
      tpu.wait_indirect_dma semaphore(%arg13 : memref<!tpu.dma_semaphore, #tpu.memory_space<semaphore_mem>>) src(%dma_wait3A_247 : memref<200000x64xf32, #tpu.memory_space<hbm>>) dst(%dma_wait3A_241 : memref<128x64xf32, #tpu.memory_space<vmem>>)
      %mul3A_248 = arith.constant 256 : i32
      %mul3A_249 = arith.muli %add3A_223, %mul3A_248 : i32
      %add3A_250 = arith.addi %mul3A_2, %mul3A_249 : i32
      %dma_start3A_251 = arith.constant 0 : i32
      %dma_start3A_252 = tpu.memref_slice %arg4[%add3A_250, %dma_start3A_251] : memref<204800x64xf32, #tpu.memory_space<hbm>> -> memref<256x64xf32, #tpu.memory_space<hbm>>
      %dma_start3A_253 = arith.constant 0 : i32
      %dma_start3A_254 = tpu.memref_slice %arg4[%add3A_250, %dma_start3A_253] : memref<204800x64xf32, #tpu.memory_space<hbm>> -> memref<256x64xf32, #tpu.memory_space<hbm>>
      tpu.enqueue_dma source(%arg9 : memref<256x64xf32, #tpu.memory_space<vmem>>) target(%dma_start3A_254 : memref<256x64xf32, #tpu.memory_space<hbm>>) target_semaphore(%arg17 : memref<!tpu.dma_semaphore, #tpu.memory_space<semaphore_mem>>)
      %add3A_255 = arith.constant 2 : i32
      %add3A_256 = arith.addi %add3A_223, %add3A_255 : i32
      %lt3A_257 = arith.constant 25 : i32
      %lt3A_258 = arith.cmpi slt, %add3A_256, %lt3A_257 : i32
      %convert_element_type3A_259 = arith.extui %lt3A_258 : i1 to i32
      %cond3A_260 = arith.constant 0 : i32
      %cond3A_261 = arith.cmpi ne, %convert_element_type3A_259, %cond3A_260 : i32
      scf.if %cond3A_261 {
        %ge3A = arith.constant 2 : i32
        %ge3A_262 = arith.cmpi sge, %add3A_223, %ge3A : i32
        %convert_element_type3A_263 = arith.extui %ge3A_262 : i1 to i32
        %cond3A_264 = arith.constant 0 : i32
        %cond3A_265 = arith.cmpi ne, %convert_element_type3A_263, %cond3A_264 : i32
        scf.if %cond3A_265 {
          %sub3A = arith.constant 2 : i32
          %sub3A_292 = arith.subi %add3A_223, %sub3A : i32
          %mul3A_293 = arith.constant 256 : i32
          %mul3A_294 = arith.muli %sub3A_292, %mul3A_293 : i32
          %add3A_295 = arith.addi %mul3A_2, %mul3A_294 : i32
          %dma_wait3A_296 = arith.constant 0 : i32
          %dma_wait3A_297 = tpu.memref_slice %arg4[%add3A_295, %dma_wait3A_296] : memref<204800x64xf32, #tpu.memory_space<hbm>> -> memref<256x64xf32, #tpu.memory_space<hbm>>
          %dma_wait3A_298 = arith.constant 0 : i32
          %dma_wait3A_299 = tpu.memref_slice %arg4[%add3A_295, %dma_wait3A_298] : memref<204800x64xf32, #tpu.memory_space<hbm>> -> memref<256x64xf32, #tpu.memory_space<hbm>>
          tpu.wait_dma2 semaphore(%arg15 : memref<!tpu.dma_semaphore, #tpu.memory_space<semaphore_mem>>) src(%arg7 : memref<256x64xf32, #tpu.memory_space<vmem>>) dst(%dma_wait3A_299 : memref<256x64xf32, #tpu.memory_space<hbm>>)
        } else {
        }
        %add3A_266 = arith.constant 2 : i32
        %add3A_267 = arith.addi %add3A_223, %add3A_266 : i32
        %mul3A_268 = arith.constant 2 : i32
        %mul3A_269 = arith.muli %mul3A_268, %add3A_267 : i32
        %dma_start3A_270 = arith.constant 0 : i32
        %dma_start3A_271 = arith.constant 0 : i32
        %dma_start3A_272 = tpu.memref_slice %arg7[%dma_start3A_270, %dma_start3A_271] : memref<256x64xf32, #tpu.memory_space<vmem>> -> memref<128x64xf32, #tpu.memory_space<vmem>>
        %dma_start3A_273 = arith.constant 0 : i32
        %dma_start3A_274 = tpu.memref_slice %arg5[%mul3A_269, %dma_start3A_273] : memref<50x128xi32, #tpu.memory_space<vmem>> -> memref<1x128xi32, #tpu.memory_space<vmem>>
        %dma_start3A_275 = tpu.memref_squeeze %dma_start3A_274 : memref<1x128xi32, #tpu.memory_space<vmem>> -> memref<128xi32, #tpu.memory_space<vmem>>
        %dma_start3A_276 = arith.constant 0 : i32
        %dma_start3A_277 = arith.constant 0 : i32
        %dma_start3A_278 = tpu.memref_slice %arg3[%dma_start3A_276, %dma_start3A_277] : memref<200000x64xf32, #tpu.memory_space<hbm>> -> memref<200000x64xf32, #tpu.memory_space<hbm>>
        tpu.enqueue_indirect_dma source(%dma_start3A_278 : memref<200000x64xf32, #tpu.memory_space<hbm>>) target(%dma_start3A_272 : memref<128x64xf32, #tpu.memory_space<vmem>>) offsets(%dma_start3A_275 : memref<128xi32, #tpu.memory_space<vmem>>) semaphore(%arg11 : memref<!tpu.dma_semaphore, #tpu.memory_space<semaphore_mem>>)
        %mul3A_279 = arith.constant 2 : i32
        %mul3A_280 = arith.muli %mul3A_279, %add3A_267 : i32
        %add3A_281 = arith.constant 1 : i32
        %add3A_282 = arith.addi %mul3A_280, %add3A_281 : i32
        %dma_start3A_283 = arith.constant 128 : i32
        %dma_start3A_284 = arith.constant 0 : i32
        %dma_start3A_285 = tpu.memref_slice %arg7[%dma_start3A_283, %dma_start3A_284] : memref<256x64xf32, #tpu.memory_space<vmem>> -> memref<128x64xf32, #tpu.memory_space<vmem>>
        %dma_start3A_286 = arith.constant 0 : i32
        %dma_start3A_287 = tpu.memref_slice %arg5[%add3A_282, %dma_start3A_286] : memref<50x128xi32, #tpu.memory_space<vmem>> -> memref<1x128xi32, #tpu.memory_space<vmem>>
        %dma_start3A_288 = tpu.memref_squeeze %dma_start3A_287 : memref<1x128xi32, #tpu.memory_space<vmem>> -> memref<128xi32, #tpu.memory_space<vmem>>
        %dma_start3A_289 = arith.constant 0 : i32
        %dma_start3A_290 = arith.constant 0 : i32
        %dma_start3A_291 = tpu.memref_slice %arg3[%dma_start3A_289, %dma_start3A_290] : memref<200000x64xf32, #tpu.memory_space<hbm>> -> memref<200000x64xf32, #tpu.memory_space<hbm>>
        tpu.enqueue_indirect_dma source(%dma_start3A_291 : memref<200000x64xf32, #tpu.memory_space<hbm>>) target(%dma_start3A_285 : memref<128x64xf32, #tpu.memory_space<vmem>>) offsets(%dma_start3A_288 : memref<128xi32, #tpu.memory_space<vmem>>) semaphore(%arg11 : memref<!tpu.dma_semaphore, #tpu.memory_space<semaphore_mem>>)
      } else {
      }
    }
    %scan3A_46 = arith.constant 6 : i32
    %dma_wait3A = arith.constant 48 : i32
    %dma_wait3A_47 = arith.constant 0 : i32
    %dma_wait3A_48 = arith.constant 0 : i32
    %dma_wait3A_49 = tpu.memref_slice %arg6[%dma_wait3A_47, %dma_wait3A_48] : memref<256x64xf32, #tpu.memory_space<vmem>> -> memref<128x64xf32, #tpu.memory_space<vmem>>
    %dma_wait3A_50 = arith.constant 0 : i32
    %dma_wait3A_51 = tpu.memref_slice %arg5[%dma_wait3A, %dma_wait3A_50] : memref<50x128xi32, #tpu.memory_space<vmem>> -> memref<1x128xi32, #tpu.memory_space<vmem>>
    %dma_wait3A_52 = tpu.memref_squeeze %dma_wait3A_51 : memref<1x128xi32, #tpu.memory_space<vmem>> -> memref<128xi32, #tpu.memory_space<vmem>>
    %dma_wait3A_53 = arith.constant 0 : i32
    %dma_wait3A_54 = arith.constant 0 : i32
    %dma_wait3A_55 = tpu.memref_slice %arg3[%dma_wait3A_53, %dma_wait3A_54] : memref<200000x64xf32, #tpu.memory_space<hbm>> -> memref<200000x64xf32, #tpu.memory_space<hbm>>
    tpu.wait_indirect_dma semaphore(%arg10 : memref<!tpu.dma_semaphore, #tpu.memory_space<semaphore_mem>>) src(%dma_wait3A_55 : memref<200000x64xf32, #tpu.memory_space<hbm>>) dst(%dma_wait3A_49 : memref<128x64xf32, #tpu.memory_space<vmem>>)
    %dma_wait3A_56 = arith.constant 49 : i32
    %dma_wait3A_57 = arith.constant 128 : i32
    %dma_wait3A_58 = arith.constant 0 : i32
    %dma_wait3A_59 = tpu.memref_slice %arg6[%dma_wait3A_57, %dma_wait3A_58] : memref<256x64xf32, #tpu.memory_space<vmem>> -> memref<128x64xf32, #tpu.memory_space<vmem>>
    %dma_wait3A_60 = arith.constant 0 : i32
    %dma_wait3A_61 = tpu.memref_slice %arg5[%dma_wait3A_56, %dma_wait3A_60] : memref<50x128xi32, #tpu.memory_space<vmem>> -> memref<1x128xi32, #tpu.memory_space<vmem>>
    %dma_wait3A_62 = tpu.memref_squeeze %dma_wait3A_61 : memref<1x128xi32, #tpu.memory_space<vmem>> -> memref<128xi32, #tpu.memory_space<vmem>>
    %dma_wait3A_63 = arith.constant 0 : i32
    %dma_wait3A_64 = arith.constant 0 : i32
    %dma_wait3A_65 = tpu.memref_slice %arg3[%dma_wait3A_63, %dma_wait3A_64] : memref<200000x64xf32, #tpu.memory_space<hbm>> -> memref<200000x64xf32, #tpu.memory_space<hbm>>
    tpu.wait_indirect_dma semaphore(%arg10 : memref<!tpu.dma_semaphore, #tpu.memory_space<semaphore_mem>>) src(%dma_wait3A_65 : memref<200000x64xf32, #tpu.memory_space<hbm>>) dst(%dma_wait3A_59 : memref<128x64xf32, #tpu.memory_space<vmem>>)
    %add3A_66 = arith.constant 6144 : i32
    %add3A_67 = arith.addi %mul3A_2, %add3A_66 : i32
    %dma_start3A_68 = arith.constant 0 : i32
    %dma_start3A_69 = tpu.memref_slice %arg4[%add3A_67, %dma_start3A_68] : memref<204800x64xf32, #tpu.memory_space<hbm>> -> memref<256x64xf32, #tpu.memory_space<hbm>>
    %dma_start3A_70 = arith.constant 0 : i32
    %dma_start3A_71 = tpu.memref_slice %arg4[%add3A_67, %dma_start3A_70] : memref<204800x64xf32, #tpu.memory_space<hbm>> -> memref<256x64xf32, #tpu.memory_space<hbm>>
    tpu.enqueue_dma source(%arg6 : memref<256x64xf32, #tpu.memory_space<vmem>>) target(%dma_start3A_71 : memref<256x64xf32, #tpu.memory_space<hbm>>) target_semaphore(%arg14 : memref<!tpu.dma_semaphore, #tpu.memory_space<semaphore_mem>>)
    %add3A_72 = arith.constant 5376 : i32
    %add3A_73 = arith.addi %mul3A_2, %add3A_72 : i32
    %dma_wait3A_74 = arith.constant 0 : i32
    %dma_wait3A_75 = tpu.memref_slice %arg4[%add3A_73, %dma_wait3A_74] : memref<204800x64xf32, #tpu.memory_space<hbm>> -> memref<256x64xf32, #tpu.memory_space<hbm>>
    %dma_wait3A_76 = arith.constant 0 : i32
    %dma_wait3A_77 = tpu.memref_slice %arg4[%add3A_73, %dma_wait3A_76] : memref<204800x64xf32, #tpu.memory_space<hbm>> -> memref<256x64xf32, #tpu.memory_space<hbm>>
    tpu.wait_dma2 semaphore(%arg15 : memref<!tpu.dma_semaphore, #tpu.memory_space<semaphore_mem>>) src(%arg7 : memref<256x64xf32, #tpu.memory_space<vmem>>) dst(%dma_wait3A_77 : memref<256x64xf32, #tpu.memory_space<hbm>>)
    %add3A_78 = arith.constant 5632 : i32
    %add3A_79 = arith.addi %mul3A_2, %add3A_78 : i32
    %dma_wait3A_80 = arith.constant 0 : i32
    %dma_wait3A_81 = tpu.memref_slice %arg4[%add3A_79, %dma_wait3A_80] : memref<204800x64xf32, #tpu.memory_space<hbm>> -> memref<256x64xf32, #tpu.memory_space<hbm>>
    %dma_wait3A_82 = arith.constant 0 : i32
    %dma_wait3A_83 = tpu.memref_slice %arg4[%add3A_79, %dma_wait3A_82] : memref<204800x64xf32, #tpu.memory_space<hbm>> -> memref<256x64xf32, #tpu.memory_space<hbm>>
    tpu.wait_dma2 semaphore(%arg16 : memref<!tpu.dma_semaphore, #tpu.memory_space<semaphore_mem>>) src(%arg8 : memref<256x64xf32, #tpu.memory_space<vmem>>) dst(%dma_wait3A_83 : memref<256x64xf32, #tpu.memory_space<hbm>>)
    %add3A_84 = arith.constant 5888 : i32
    %add3A_85 = arith.addi %mul3A_2, %add3A_84 : i32
    %dma_wait3A_86 = arith.constant 0 : i32
    %dma_wait3A_87 = tpu.memref_slice %arg4[%add3A_85, %dma_wait3A_86] : memref<204800x64xf32, #tpu.memory_space<hbm>> -> memref<256x64xf32, #tpu.memory_space<hbm>>
    %dma_wait3A_88 = arith.constant 0 : i32
    %dma_wait3A_89 = tpu.memref_slice %arg4[%add3A_85, %dma_wait3A_88] : memref<204800x64xf32, #tpu.memory_space<hbm>> -> memref<256x64xf32, #tpu.memory_space<hbm>>
    tpu.wait_dma2 semaphore(%arg17 : memref<!tpu.dma_semaphore, #tpu.memory_space<semaphore_mem>>) src(%arg9 : memref<256x64xf32, #tpu.memory_space<vmem>>) dst(%dma_wait3A_89 : memref<256x64xf32, #tpu.memory_space<hbm>>)
    %add3A_90 = arith.constant 6144 : i32
    %add3A_91 = arith.addi %mul3A_2, %add3A_90 : i32
    %dma_wait3A_92 = arith.constant 0 : i32
    %dma_wait3A_93 = tpu.memref_slice %arg4[%add3A_91, %dma_wait3A_92] : memref<204800x64xf32, #tpu.memory_space<hbm>> -> memref<256x64xf32, #tpu.memory_space<hbm>>
    %dma_wait3A_94 = arith.constant 0 : i32
    %dma_wait3A_95 = tpu.memref_slice %arg4[%add3A_91, %dma_wait3A_94] : memref<204800x64xf32, #tpu.memory_space<hbm>> -> memref<256x64xf32, #tpu.memory_space<hbm>>
    tpu.wait_dma2 semaphore(%arg14 : memref<!tpu.dma_semaphore, #tpu.memory_space<semaphore_mem>>) src(%arg6 : memref<256x64xf32, #tpu.memory_space<vmem>>) dst(%dma_wait3A_95 : memref<256x64xf32, #tpu.memory_space<hbm>>)
    return
  }
}

module attributes {stable_mosaic.version = 14 : i64} {
  func.func @_transform_body(%arg0: i32, %arg1: memref<64x8192xf32, #tpu.memory_space<vmem>>, %arg2: memref<8192x128xf32, #tpu.memory_space<vmem>>) attributes {dimension_semantics = [#tpu.dimension_semantics<arbitrary>], iteration_bounds = array<i64: 13>, scalar_prefetch = 0 : i64, scratch_operands = 0 : i64, tpu.core_type = #tpu.core_type<tc>, window_params = [{transform_indices = @transform_0, window_bounds = array<i64: 64, 8192>}, {transform_indices = @transform_1, window_bounds = array<i64: 8192, 128>}]} {
    %iota3A = tpu.iota {dimensions = array<i32: 1>} : vector<8192x64xi32>
    %convert_element_type3A = arith.sitofp %iota3A : vector<8192x64xi32> to vector<8192x64xf32>
    %add3A = arith.constant 1.000000e+00 : f32
    %add3A_0 = vector.broadcast %add3A : f32 to vector<8192x64xf32>
    %add3A_1 = arith.addf %convert_element_type3A, %add3A_0 : vector<8192x64xf32>
    %get3A = arith.constant 0 : index
    %get3A_2 = arith.constant 0 : index
    %get3A_3 = vector.load %arg1[%get3A, %get3A_2] : memref<64x8192xf32, #tpu.memory_space<vmem>>, vector<64x8192xf32>
    %transpose3A = tpu.transpose %get3A_3, [1, 0] : vector<64x8192xf32> -> vector<8192x64xf32>
    %mul3A = arith.constant 8.000000e+00 : f32
    %mul3A_4 = vector.broadcast %mul3A : f32 to vector<8192x64xf32>
    %mul3A_5 = arith.mulf %transpose3A, %mul3A_4 : vector<8192x64xf32>
    %add3A_6 = arith.addf %mul3A_5, %add3A_1 : vector<8192x64xf32>
    %swap3A = arith.constant 0 : index
    %swap3A_7 = arith.constant 0 : index
    %swap3A_8 = vector.load %arg2[%swap3A, %swap3A_7] : memref<8192x128xf32, #tpu.memory_space<vmem>>, vector<8192x64xf32>
    tpu.vector_store %arg2[%swap3A, %swap3A_7], %add3A_6 {strides = array<i32>} : memref<8192x128xf32, #tpu.memory_space<vmem>>, vector<8192x64xf32>,
    return
  }
  func.func @transform_0(%arg0: i32) -> (i32, i32) {
    %c0_i32 = arith.constant 0 : i32
    %c0_i32_0 = arith.constant 0 : i32
    return %c0_i32, %arg0 : i32, i32
  }
  func.func @transform_1(%arg0: i32) -> (i32, i32) {
    %c0_i32 = arith.constant 0 : i32
    %c0_i32_0 = arith.constant 0 : i32
    return %arg0, %c0_i32 : i32, i32
  }
}

module attributes {stable_mosaic.version = 14 : i64} {
  func.func @_format_body(%arg0: i32, %arg1: memref<12800x128xf32, #tpu.memory_space<vmem>>, %arg2: memref<1x50x64x512xf32, #tpu.memory_space<vmem>>) attributes {dimension_semantics = [#tpu.dimension_semantics<arbitrary>], iteration_bounds = array<i64: 8>, scalar_prefetch = 0 : i64, scratch_operands = 0 : i64, tpu.core_type = #tpu.core_type<tc>, window_params = [{transform_indices = @transform_0, window_bounds = array<i64: 12800, 128>}, {transform_indices = @transform_1, window_bounds = array<i64: 1, 50, 64, 512>}]} {
    %get3A = arith.constant 0 : index
    %get3A_0 = arith.constant 0 : index
    %get3A_1 = vector.load %arg1[%get3A, %get3A_0] : memref<12800x128xf32, #tpu.memory_space<vmem>>, vector<12800x128xf32>
    %reshape3A = vector.shape_cast %get3A_1 : vector<12800x128xf32> to vector<512x25x128xf32>
    %slice3A = vector.extract_strided_slice %reshape3A {offsets = [0, 0, 0], sizes = [512, 1, 128], strides = [1, 1, 1]} : vector<512x25x128xf32> to vector<512x1x128xf32>
    %squeeze3A = vector.shape_cast %slice3A : vector<512x1x128xf32> to vector<512x128xf32>
    %transpose3A = tpu.transpose %squeeze3A, [1, 0] : vector<512x128xf32> -> vector<128x512xf32>
    %slice3A_2 = vector.extract_strided_slice %transpose3A {offsets = [0, 0], sizes = [64, 512], strides = [1, 1]} : vector<128x512xf32> to vector<64x512xf32>
    %swap3A = arith.constant 0 : index
    %swap3A_3 = arith.constant 0 : index
    %swap3A_4 = arith.constant 0 : index
    %swap3A_5 = arith.constant 0 : index
    %swap3A_6 = vector.load %arg2[%swap3A, %swap3A_3, %swap3A_4, %swap3A_5] : memref<1x50x64x512xf32, #tpu.memory_space<vmem>>, vector<1x1x64x512xf32>
    %swap3A_7 = vector.shape_cast %swap3A_6 : vector<1x1x64x512xf32> to vector<64x512xf32>
    %swap3A_8 = vector.shape_cast %slice3A_2 : vector<64x512xf32> to vector<1x1x64x512xf32>
    tpu.vector_store %arg2[%swap3A, %swap3A_3, %swap3A_4, %swap3A_5], %swap3A_8 {strides = array<i32>} : memref<1x50x64x512xf32, #tpu.memory_space<vmem>>, vector<1x1x64x512xf32>,
    %slice3A_9 = vector.extract_strided_slice %transpose3A {offsets = [64, 0], sizes = [64, 512], strides = [1, 1]} : vector<128x512xf32> to vector<64x512xf32>
    %swap3A_10 = arith.constant 0 : index
    %swap3A_11 = arith.constant 1 : index
    %swap3A_12 = arith.constant 0 : index
    %swap3A_13 = arith.constant 0 : index
    %swap3A_14 = vector.load %arg2[%swap3A_10, %swap3A_11, %swap3A_12, %swap3A_13] : memref<1x50x64x512xf32, #tpu.memory_space<vmem>>, vector<1x1x64x512xf32>
    %swap3A_15 = vector.shape_cast %swap3A_14 : vector<1x1x64x512xf32> to vector<64x512xf32>
    %swap3A_16 = vector.shape_cast %slice3A_9 : vector<64x512xf32> to vector<1x1x64x512xf32>
    tpu.vector_store %arg2[%swap3A_10, %swap3A_11, %swap3A_12, %swap3A_13], %swap3A_16 {strides = array<i32>} : memref<1x50x64x512xf32, #tpu.memory_space<vmem>>, vector<1x1x64x512xf32>,
    %slice3A_17 = vector.extract_strided_slice %reshape3A {offsets = [0, 1, 0], sizes = [512, 1, 128], strides = [1, 1, 1]} : vector<512x25x128xf32> to vector<512x1x128xf32>
    %squeeze3A_18 = vector.shape_cast %slice3A_17 : vector<512x1x128xf32> to vector<512x128xf32>
    %transpose3A_19 = tpu.transpose %squeeze3A_18, [1, 0] : vector<512x128xf32> -> vector<128x512xf32>
    %slice3A_20 = vector.extract_strided_slice %transpose3A_19 {offsets = [0, 0], sizes = [64, 512], strides = [1, 1]} : vector<128x512xf32> to vector<64x512xf32>
    %swap3A_21 = arith.constant 0 : index
    %swap3A_22 = arith.constant 2 : index
    %swap3A_23 = arith.constant 0 : index
    %swap3A_24 = arith.constant 0 : index
    %swap3A_25 = vector.load %arg2[%swap3A_21, %swap3A_22, %swap3A_23, %swap3A_24] : memref<1x50x64x512xf32, #tpu.memory_space<vmem>>, vector<1x1x64x512xf32>
    %swap3A_26 = vector.shape_cast %swap3A_25 : vector<1x1x64x512xf32> to vector<64x512xf32>
    %swap3A_27 = vector.shape_cast %slice3A_20 : vector<64x512xf32> to vector<1x1x64x512xf32>
    tpu.vector_store %arg2[%swap3A_21, %swap3A_22, %swap3A_23, %swap3A_24], %swap3A_27 {strides = array<i32>} : memref<1x50x64x512xf32, #tpu.memory_space<vmem>>, vector<1x1x64x512xf32>,
    %slice3A_28 = vector.extract_strided_slice %transpose3A_19 {offsets = [64, 0], sizes = [64, 512], strides = [1, 1]} : vector<128x512xf32> to vector<64x512xf32>
    %swap3A_29 = arith.constant 0 : index
    %swap3A_30 = arith.constant 3 : index
    %swap3A_31 = arith.constant 0 : index
    %swap3A_32 = arith.constant 0 : index
    %swap3A_33 = vector.load %arg2[%swap3A_29, %swap3A_30, %swap3A_31, %swap3A_32] : memref<1x50x64x512xf32, #tpu.memory_space<vmem>>, vector<1x1x64x512xf32>
    %swap3A_34 = vector.shape_cast %swap3A_33 : vector<1x1x64x512xf32> to vector<64x512xf32>
    %swap3A_35 = vector.shape_cast %slice3A_28 : vector<64x512xf32> to vector<1x1x64x512xf32>
    tpu.vector_store %arg2[%swap3A_29, %swap3A_30, %swap3A_31, %swap3A_32], %swap3A_35 {strides = array<i32>} : memref<1x50x64x512xf32, #tpu.memory_space<vmem>>, vector<1x1x64x512xf32>,
    %slice3A_36 = vector.extract_strided_slice %reshape3A {offsets = [0, 2, 0], sizes = [512, 1, 128], strides = [1, 1, 1]} : vector<512x25x128xf32> to vector<512x1x128xf32>
    %squeeze3A_37 = vector.shape_cast %slice3A_36 : vector<512x1x128xf32> to vector<512x128xf32>
    %transpose3A_38 = tpu.transpose %squeeze3A_37, [1, 0] : vector<512x128xf32> -> vector<128x512xf32>
    %slice3A_39 = vector.extract_strided_slice %transpose3A_38 {offsets = [0, 0], sizes = [64, 512], strides = [1, 1]} : vector<128x512xf32> to vector<64x512xf32>
    %swap3A_40 = arith.constant 0 : index
    %swap3A_41 = arith.constant 4 : index
    %swap3A_42 = arith.constant 0 : index
    %swap3A_43 = arith.constant 0 : index
    %swap3A_44 = vector.load %arg2[%swap3A_40, %swap3A_41, %swap3A_42, %swap3A_43] : memref<1x50x64x512xf32, #tpu.memory_space<vmem>>, vector<1x1x64x512xf32>
    %swap3A_45 = vector.shape_cast %swap3A_44 : vector<1x1x64x512xf32> to vector<64x512xf32>
    %swap3A_46 = vector.shape_cast %slice3A_39 : vector<64x512xf32> to vector<1x1x64x512xf32>
    tpu.vector_store %arg2[%swap3A_40, %swap3A_41, %swap3A_42, %swap3A_43], %swap3A_46 {strides = array<i32>} : memref<1x50x64x512xf32, #tpu.memory_space<vmem>>, vector<1x1x64x512xf32>,
    %slice3A_47 = vector.extract_strided_slice %transpose3A_38 {offsets = [64, 0], sizes = [64, 512], strides = [1, 1]} : vector<128x512xf32> to vector<64x512xf32>
    %swap3A_48 = arith.constant 0 : index
    %swap3A_49 = arith.constant 5 : index
    %swap3A_50 = arith.constant 0 : index
    %swap3A_51 = arith.constant 0 : index
    %swap3A_52 = vector.load %arg2[%swap3A_48, %swap3A_49, %swap3A_50, %swap3A_51] : memref<1x50x64x512xf32, #tpu.memory_space<vmem>>, vector<1x1x64x512xf32>
    %swap3A_53 = vector.shape_cast %swap3A_52 : vector<1x1x64x512xf32> to vector<64x512xf32>
    %swap3A_54 = vector.shape_cast %slice3A_47 : vector<64x512xf32> to vector<1x1x64x512xf32>
    tpu.vector_store %arg2[%swap3A_48, %swap3A_49, %swap3A_50, %swap3A_51], %swap3A_54 {strides = array<i32>} : memref<1x50x64x512xf32, #tpu.memory_space<vmem>>, vector<1x1x64x512xf32>,
    %slice3A_55 = vector.extract_strided_slice %reshape3A {offsets = [0, 3, 0], sizes = [512, 1, 128], strides = [1, 1, 1]} : vector<512x25x128xf32> to vector<512x1x128xf32>
    %squeeze3A_56 = vector.shape_cast %slice3A_55 : vector<512x1x128xf32> to vector<512x128xf32>
    %transpose3A_57 = tpu.transpose %squeeze3A_56, [1, 0] : vector<512x128xf32> -> vector<128x512xf32>
    %slice3A_58 = vector.extract_strided_slice %transpose3A_57 {offsets = [0, 0], sizes = [64, 512], strides = [1, 1]} : vector<128x512xf32> to vector<64x512xf32>
    %swap3A_59 = arith.constant 0 : index
    %swap3A_60 = arith.constant 6 : index
    %swap3A_61 = arith.constant 0 : index
    %swap3A_62 = arith.constant 0 : index
    %swap3A_63 = vector.load %arg2[%swap3A_59, %swap3A_60, %swap3A_61, %swap3A_62] : memref<1x50x64x512xf32, #tpu.memory_space<vmem>>, vector<1x1x64x512xf32>
    %swap3A_64 = vector.shape_cast %swap3A_63 : vector<1x1x64x512xf32> to vector<64x512xf32>
    %swap3A_65 = vector.shape_cast %slice3A_58 : vector<64x512xf32> to vector<1x1x64x512xf32>
    tpu.vector_store %arg2[%swap3A_59, %swap3A_60, %swap3A_61, %swap3A_62], %swap3A_65 {strides = array<i32>} : memref<1x50x64x512xf32, #tpu.memory_space<vmem>>, vector<1x1x64x512xf32>,
    %slice3A_66 = vector.extract_strided_slice %transpose3A_57 {offsets = [64, 0], sizes = [64, 512], strides = [1, 1]} : vector<128x512xf32> to vector<64x512xf32>
    %swap3A_67 = arith.constant 0 : index
    %swap3A_68 = arith.constant 7 : index
    %swap3A_69 = arith.constant 0 : index
    %swap3A_70 = arith.constant 0 : index
    %swap3A_71 = vector.load %arg2[%swap3A_67, %swap3A_68, %swap3A_69, %swap3A_70] : memref<1x50x64x512xf32, #tpu.memory_space<vmem>>, vector<1x1x64x512xf32>
    %swap3A_72 = vector.shape_cast %swap3A_71 : vector<1x1x64x512xf32> to vector<64x512xf32>
    %swap3A_73 = vector.shape_cast %slice3A_66 : vector<64x512xf32> to vector<1x1x64x512xf32>
    tpu.vector_store %arg2[%swap3A_67, %swap3A_68, %swap3A_69, %swap3A_70], %swap3A_73 {strides = array<i32>} : memref<1x50x64x512xf32, #tpu.memory_space<vmem>>, vector<1x1x64x512xf32>,
    %slice3A_74 = vector.extract_strided_slice %reshape3A {offsets = [0, 4, 0], sizes = [512, 1, 128], strides = [1, 1, 1]} : vector<512x25x128xf32> to vector<512x1x128xf32>
    %squeeze3A_75 = vector.shape_cast %slice3A_74 : vector<512x1x128xf32> to vector<512x128xf32>
    %transpose3A_76 = tpu.transpose %squeeze3A_75, [1, 0] : vector<512x128xf32> -> vector<128x512xf32>
    %slice3A_77 = vector.extract_strided_slice %transpose3A_76 {offsets = [0, 0], sizes = [64, 512], strides = [1, 1]} : vector<128x512xf32> to vector<64x512xf32>
    %swap3A_78 = arith.constant 0 : index
    %swap3A_79 = arith.constant 8 : index
    %swap3A_80 = arith.constant 0 : index
    %swap3A_81 = arith.constant 0 : index
    %swap3A_82 = vector.load %arg2[%swap3A_78, %swap3A_79, %swap3A_80, %swap3A_81] : memref<1x50x64x512xf32, #tpu.memory_space<vmem>>, vector<1x1x64x512xf32>
    %swap3A_83 = vector.shape_cast %swap3A_82 : vector<1x1x64x512xf32> to vector<64x512xf32>
    %swap3A_84 = vector.shape_cast %slice3A_77 : vector<64x512xf32> to vector<1x1x64x512xf32>
    tpu.vector_store %arg2[%swap3A_78, %swap3A_79, %swap3A_80, %swap3A_81], %swap3A_84 {strides = array<i32>} : memref<1x50x64x512xf32, #tpu.memory_space<vmem>>, vector<1x1x64x512xf32>,
    %slice3A_85 = vector.extract_strided_slice %transpose3A_76 {offsets = [64, 0], sizes = [64, 512], strides = [1, 1]} : vector<128x512xf32> to vector<64x512xf32>
    %swap3A_86 = arith.constant 0 : index
    %swap3A_87 = arith.constant 9 : index
    %swap3A_88 = arith.constant 0 : index
    %swap3A_89 = arith.constant 0 : index
    %swap3A_90 = vector.load %arg2[%swap3A_86, %swap3A_87, %swap3A_88, %swap3A_89] : memref<1x50x64x512xf32, #tpu.memory_space<vmem>>, vector<1x1x64x512xf32>
    %swap3A_91 = vector.shape_cast %swap3A_90 : vector<1x1x64x512xf32> to vector<64x512xf32>
    %swap3A_92 = vector.shape_cast %slice3A_85 : vector<64x512xf32> to vector<1x1x64x512xf32>
    tpu.vector_store %arg2[%swap3A_86, %swap3A_87, %swap3A_88, %swap3A_89], %swap3A_92 {strides = array<i32>} : memref<1x50x64x512xf32, #tpu.memory_space<vmem>>, vector<1x1x64x512xf32>,
    %slice3A_93 = vector.extract_strided_slice %reshape3A {offsets = [0, 5, 0], sizes = [512, 1, 128], strides = [1, 1, 1]} : vector<512x25x128xf32> to vector<512x1x128xf32>
    %squeeze3A_94 = vector.shape_cast %slice3A_93 : vector<512x1x128xf32> to vector<512x128xf32>
    %transpose3A_95 = tpu.transpose %squeeze3A_94, [1, 0] : vector<512x128xf32> -> vector<128x512xf32>
    %slice3A_96 = vector.extract_strided_slice %transpose3A_95 {offsets = [0, 0], sizes = [64, 512], strides = [1, 1]} : vector<128x512xf32> to vector<64x512xf32>
    %swap3A_97 = arith.constant 0 : index
    %swap3A_98 = arith.constant 10 : index
    %swap3A_99 = arith.constant 0 : index
    %swap3A_100 = arith.constant 0 : index
    %swap3A_101 = vector.load %arg2[%swap3A_97, %swap3A_98, %swap3A_99, %swap3A_100] : memref<1x50x64x512xf32, #tpu.memory_space<vmem>>, vector<1x1x64x512xf32>
    %swap3A_102 = vector.shape_cast %swap3A_101 : vector<1x1x64x512xf32> to vector<64x512xf32>
    %swap3A_103 = vector.shape_cast %slice3A_96 : vector<64x512xf32> to vector<1x1x64x512xf32>
    tpu.vector_store %arg2[%swap3A_97, %swap3A_98, %swap3A_99, %swap3A_100], %swap3A_103 {strides = array<i32>} : memref<1x50x64x512xf32, #tpu.memory_space<vmem>>, vector<1x1x64x512xf32>,
    %slice3A_104 = vector.extract_strided_slice %transpose3A_95 {offsets = [64, 0], sizes = [64, 512], strides = [1, 1]} : vector<128x512xf32> to vector<64x512xf32>
    %swap3A_105 = arith.constant 0 : index
    %swap3A_106 = arith.constant 11 : index
    %swap3A_107 = arith.constant 0 : index
    %swap3A_108 = arith.constant 0 : index
    %swap3A_109 = vector.load %arg2[%swap3A_105, %swap3A_106, %swap3A_107, %swap3A_108] : memref<1x50x64x512xf32, #tpu.memory_space<vmem>>, vector<1x1x64x512xf32>
    %swap3A_110 = vector.shape_cast %swap3A_109 : vector<1x1x64x512xf32> to vector<64x512xf32>
    %swap3A_111 = vector.shape_cast %slice3A_104 : vector<64x512xf32> to vector<1x1x64x512xf32>
    tpu.vector_store %arg2[%swap3A_105, %swap3A_106, %swap3A_107, %swap3A_108], %swap3A_111 {strides = array<i32>} : memref<1x50x64x512xf32, #tpu.memory_space<vmem>>, vector<1x1x64x512xf32>,
    %slice3A_112 = vector.extract_strided_slice %reshape3A {offsets = [0, 6, 0], sizes = [512, 1, 128], strides = [1, 1, 1]} : vector<512x25x128xf32> to vector<512x1x128xf32>
    %squeeze3A_113 = vector.shape_cast %slice3A_112 : vector<512x1x128xf32> to vector<512x128xf32>
    %transpose3A_114 = tpu.transpose %squeeze3A_113, [1, 0] : vector<512x128xf32> -> vector<128x512xf32>
    %slice3A_115 = vector.extract_strided_slice %transpose3A_114 {offsets = [0, 0], sizes = [64, 512], strides = [1, 1]} : vector<128x512xf32> to vector<64x512xf32>
    %swap3A_116 = arith.constant 0 : index
    %swap3A_117 = arith.constant 12 : index
    %swap3A_118 = arith.constant 0 : index
    %swap3A_119 = arith.constant 0 : index
    %swap3A_120 = vector.load %arg2[%swap3A_116, %swap3A_117, %swap3A_118, %swap3A_119] : memref<1x50x64x512xf32, #tpu.memory_space<vmem>>, vector<1x1x64x512xf32>
    %swap3A_121 = vector.shape_cast %swap3A_120 : vector<1x1x64x512xf32> to vector<64x512xf32>
    %swap3A_122 = vector.shape_cast %slice3A_115 : vector<64x512xf32> to vector<1x1x64x512xf32>
    tpu.vector_store %arg2[%swap3A_116, %swap3A_117, %swap3A_118, %swap3A_119], %swap3A_122 {strides = array<i32>} : memref<1x50x64x512xf32, #tpu.memory_space<vmem>>, vector<1x1x64x512xf32>,
    %slice3A_123 = vector.extract_strided_slice %transpose3A_114 {offsets = [64, 0], sizes = [64, 512], strides = [1, 1]} : vector<128x512xf32> to vector<64x512xf32>
    %swap3A_124 = arith.constant 0 : index
    %swap3A_125 = arith.constant 13 : index
    %swap3A_126 = arith.constant 0 : index
    %swap3A_127 = arith.constant 0 : index
    %swap3A_128 = vector.load %arg2[%swap3A_124, %swap3A_125, %swap3A_126, %swap3A_127] : memref<1x50x64x512xf32, #tpu.memory_space<vmem>>, vector<1x1x64x512xf32>
    %swap3A_129 = vector.shape_cast %swap3A_128 : vector<1x1x64x512xf32> to vector<64x512xf32>
    %swap3A_130 = vector.shape_cast %slice3A_123 : vector<64x512xf32> to vector<1x1x64x512xf32>
    tpu.vector_store %arg2[%swap3A_124, %swap3A_125, %swap3A_126, %swap3A_127], %swap3A_130 {strides = array<i32>} : memref<1x50x64x512xf32, #tpu.memory_space<vmem>>, vector<1x1x64x512xf32>,
    %slice3A_131 = vector.extract_strided_slice %reshape3A {offsets = [0, 7, 0], sizes = [512, 1, 128], strides = [1, 1, 1]} : vector<512x25x128xf32> to vector<512x1x128xf32>
    %squeeze3A_132 = vector.shape_cast %slice3A_131 : vector<512x1x128xf32> to vector<512x128xf32>
    %transpose3A_133 = tpu.transpose %squeeze3A_132, [1, 0] : vector<512x128xf32> -> vector<128x512xf32>
    %slice3A_134 = vector.extract_strided_slice %transpose3A_133 {offsets = [0, 0], sizes = [64, 512], strides = [1, 1]} : vector<128x512xf32> to vector<64x512xf32>
    %swap3A_135 = arith.constant 0 : index
    %swap3A_136 = arith.constant 14 : index
    %swap3A_137 = arith.constant 0 : index
    %swap3A_138 = arith.constant 0 : index
    %swap3A_139 = vector.load %arg2[%swap3A_135, %swap3A_136, %swap3A_137, %swap3A_138] : memref<1x50x64x512xf32, #tpu.memory_space<vmem>>, vector<1x1x64x512xf32>
    %swap3A_140 = vector.shape_cast %swap3A_139 : vector<1x1x64x512xf32> to vector<64x512xf32>
    %swap3A_141 = vector.shape_cast %slice3A_134 : vector<64x512xf32> to vector<1x1x64x512xf32>
    tpu.vector_store %arg2[%swap3A_135, %swap3A_136, %swap3A_137, %swap3A_138], %swap3A_141 {strides = array<i32>} : memref<1x50x64x512xf32, #tpu.memory_space<vmem>>, vector<1x1x64x512xf32>,
    %slice3A_142 = vector.extract_strided_slice %transpose3A_133 {offsets = [64, 0], sizes = [64, 512], strides = [1, 1]} : vector<128x512xf32> to vector<64x512xf32>
    %swap3A_143 = arith.constant 0 : index
    %swap3A_144 = arith.constant 15 : index
    %swap3A_145 = arith.constant 0 : index
    %swap3A_146 = arith.constant 0 : index
    %swap3A_147 = vector.load %arg2[%swap3A_143, %swap3A_144, %swap3A_145, %swap3A_146] : memref<1x50x64x512xf32, #tpu.memory_space<vmem>>, vector<1x1x64x512xf32>
    %swap3A_148 = vector.shape_cast %swap3A_147 : vector<1x1x64x512xf32> to vector<64x512xf32>
    %swap3A_149 = vector.shape_cast %slice3A_142 : vector<64x512xf32> to vector<1x1x64x512xf32>
    tpu.vector_store %arg2[%swap3A_143, %swap3A_144, %swap3A_145, %swap3A_146], %swap3A_149 {strides = array<i32>} : memref<1x50x64x512xf32, #tpu.memory_space<vmem>>, vector<1x1x64x512xf32>,
    %slice3A_150 = vector.extract_strided_slice %reshape3A {offsets = [0, 8, 0], sizes = [512, 1, 128], strides = [1, 1, 1]} : vector<512x25x128xf32> to vector<512x1x128xf32>
    %squeeze3A_151 = vector.shape_cast %slice3A_150 : vector<512x1x128xf32> to vector<512x128xf32>
    %transpose3A_152 = tpu.transpose %squeeze3A_151, [1, 0] : vector<512x128xf32> -> vector<128x512xf32>
    %slice3A_153 = vector.extract_strided_slice %transpose3A_152 {offsets = [0, 0], sizes = [64, 512], strides = [1, 1]} : vector<128x512xf32> to vector<64x512xf32>
    %swap3A_154 = arith.constant 0 : index
    %swap3A_155 = arith.constant 16 : index
    %swap3A_156 = arith.constant 0 : index
    %swap3A_157 = arith.constant 0 : index
    %swap3A_158 = vector.load %arg2[%swap3A_154, %swap3A_155, %swap3A_156, %swap3A_157] : memref<1x50x64x512xf32, #tpu.memory_space<vmem>>, vector<1x1x64x512xf32>
    %swap3A_159 = vector.shape_cast %swap3A_158 : vector<1x1x64x512xf32> to vector<64x512xf32>
    %swap3A_160 = vector.shape_cast %slice3A_153 : vector<64x512xf32> to vector<1x1x64x512xf32>
    tpu.vector_store %arg2[%swap3A_154, %swap3A_155, %swap3A_156, %swap3A_157], %swap3A_160 {strides = array<i32>} : memref<1x50x64x512xf32, #tpu.memory_space<vmem>>, vector<1x1x64x512xf32>,
    %slice3A_161 = vector.extract_strided_slice %transpose3A_152 {offsets = [64, 0], sizes = [64, 512], strides = [1, 1]} : vector<128x512xf32> to vector<64x512xf32>
    %swap3A_162 = arith.constant 0 : index
    %swap3A_163 = arith.constant 17 : index
    %swap3A_164 = arith.constant 0 : index
    %swap3A_165 = arith.constant 0 : index
    %swap3A_166 = vector.load %arg2[%swap3A_162, %swap3A_163, %swap3A_164, %swap3A_165] : memref<1x50x64x512xf32, #tpu.memory_space<vmem>>, vector<1x1x64x512xf32>
    %swap3A_167 = vector.shape_cast %swap3A_166 : vector<1x1x64x512xf32> to vector<64x512xf32>
    %swap3A_168 = vector.shape_cast %slice3A_161 : vector<64x512xf32> to vector<1x1x64x512xf32>
    tpu.vector_store %arg2[%swap3A_162, %swap3A_163, %swap3A_164, %swap3A_165], %swap3A_168 {strides = array<i32>} : memref<1x50x64x512xf32, #tpu.memory_space<vmem>>, vector<1x1x64x512xf32>,
    %slice3A_169 = vector.extract_strided_slice %reshape3A {offsets = [0, 9, 0], sizes = [512, 1, 128], strides = [1, 1, 1]} : vector<512x25x128xf32> to vector<512x1x128xf32>
    %squeeze3A_170 = vector.shape_cast %slice3A_169 : vector<512x1x128xf32> to vector<512x128xf32>
    %transpose3A_171 = tpu.transpose %squeeze3A_170, [1, 0] : vector<512x128xf32> -> vector<128x512xf32>
    %slice3A_172 = vector.extract_strided_slice %transpose3A_171 {offsets = [0, 0], sizes = [64, 512], strides = [1, 1]} : vector<128x512xf32> to vector<64x512xf32>
    %swap3A_173 = arith.constant 0 : index
    %swap3A_174 = arith.constant 18 : index
    %swap3A_175 = arith.constant 0 : index
    %swap3A_176 = arith.constant 0 : index
    %swap3A_177 = vector.load %arg2[%swap3A_173, %swap3A_174, %swap3A_175, %swap3A_176] : memref<1x50x64x512xf32, #tpu.memory_space<vmem>>, vector<1x1x64x512xf32>
    %swap3A_178 = vector.shape_cast %swap3A_177 : vector<1x1x64x512xf32> to vector<64x512xf32>
    %swap3A_179 = vector.shape_cast %slice3A_172 : vector<64x512xf32> to vector<1x1x64x512xf32>
    tpu.vector_store %arg2[%swap3A_173, %swap3A_174, %swap3A_175, %swap3A_176], %swap3A_179 {strides = array<i32>} : memref<1x50x64x512xf32, #tpu.memory_space<vmem>>, vector<1x1x64x512xf32>,
    %slice3A_180 = vector.extract_strided_slice %transpose3A_171 {offsets = [64, 0], sizes = [64, 512], strides = [1, 1]} : vector<128x512xf32> to vector<64x512xf32>
    %swap3A_181 = arith.constant 0 : index
    %swap3A_182 = arith.constant 19 : index
    %swap3A_183 = arith.constant 0 : index
    %swap3A_184 = arith.constant 0 : index
    %swap3A_185 = vector.load %arg2[%swap3A_181, %swap3A_182, %swap3A_183, %swap3A_184] : memref<1x50x64x512xf32, #tpu.memory_space<vmem>>, vector<1x1x64x512xf32>
    %swap3A_186 = vector.shape_cast %swap3A_185 : vector<1x1x64x512xf32> to vector<64x512xf32>
    %swap3A_187 = vector.shape_cast %slice3A_180 : vector<64x512xf32> to vector<1x1x64x512xf32>
    tpu.vector_store %arg2[%swap3A_181, %swap3A_182, %swap3A_183, %swap3A_184], %swap3A_187 {strides = array<i32>} : memref<1x50x64x512xf32, #tpu.memory_space<vmem>>, vector<1x1x64x512xf32>,
    %slice3A_188 = vector.extract_strided_slice %reshape3A {offsets = [0, 10, 0], sizes = [512, 1, 128], strides = [1, 1, 1]} : vector<512x25x128xf32> to vector<512x1x128xf32>
    %squeeze3A_189 = vector.shape_cast %slice3A_188 : vector<512x1x128xf32> to vector<512x128xf32>
    %transpose3A_190 = tpu.transpose %squeeze3A_189, [1, 0] : vector<512x128xf32> -> vector<128x512xf32>
    %slice3A_191 = vector.extract_strided_slice %transpose3A_190 {offsets = [0, 0], sizes = [64, 512], strides = [1, 1]} : vector<128x512xf32> to vector<64x512xf32>
    %swap3A_192 = arith.constant 0 : index
    %swap3A_193 = arith.constant 20 : index
    %swap3A_194 = arith.constant 0 : index
    %swap3A_195 = arith.constant 0 : index
    %swap3A_196 = vector.load %arg2[%swap3A_192, %swap3A_193, %swap3A_194, %swap3A_195] : memref<1x50x64x512xf32, #tpu.memory_space<vmem>>, vector<1x1x64x512xf32>
    %swap3A_197 = vector.shape_cast %swap3A_196 : vector<1x1x64x512xf32> to vector<64x512xf32>
    %swap3A_198 = vector.shape_cast %slice3A_191 : vector<64x512xf32> to vector<1x1x64x512xf32>
    tpu.vector_store %arg2[%swap3A_192, %swap3A_193, %swap3A_194, %swap3A_195], %swap3A_198 {strides = array<i32>} : memref<1x50x64x512xf32, #tpu.memory_space<vmem>>, vector<1x1x64x512xf32>,
    %slice3A_199 = vector.extract_strided_slice %transpose3A_190 {offsets = [64, 0], sizes = [64, 512], strides = [1, 1]} : vector<128x512xf32> to vector<64x512xf32>
    %swap3A_200 = arith.constant 0 : index
    %swap3A_201 = arith.constant 21 : index
    %swap3A_202 = arith.constant 0 : index
    %swap3A_203 = arith.constant 0 : index
    %swap3A_204 = vector.load %arg2[%swap3A_200, %swap3A_201, %swap3A_202, %swap3A_203] : memref<1x50x64x512xf32, #tpu.memory_space<vmem>>, vector<1x1x64x512xf32>
    %swap3A_205 = vector.shape_cast %swap3A_204 : vector<1x1x64x512xf32> to vector<64x512xf32>
    %swap3A_206 = vector.shape_cast %slice3A_199 : vector<64x512xf32> to vector<1x1x64x512xf32>
    tpu.vector_store %arg2[%swap3A_200, %swap3A_201, %swap3A_202, %swap3A_203], %swap3A_206 {strides = array<i32>} : memref<1x50x64x512xf32, #tpu.memory_space<vmem>>, vector<1x1x64x512xf32>,
    %slice3A_207 = vector.extract_strided_slice %reshape3A {offsets = [0, 11, 0], sizes = [512, 1, 128], strides = [1, 1, 1]} : vector<512x25x128xf32> to vector<512x1x128xf32>
    %squeeze3A_208 = vector.shape_cast %slice3A_207 : vector<512x1x128xf32> to vector<512x128xf32>
    %transpose3A_209 = tpu.transpose %squeeze3A_208, [1, 0] : vector<512x128xf32> -> vector<128x512xf32>
    %slice3A_210 = vector.extract_strided_slice %transpose3A_209 {offsets = [0, 0], sizes = [64, 512], strides = [1, 1]} : vector<128x512xf32> to vector<64x512xf32>
    %swap3A_211 = arith.constant 0 : index
    %swap3A_212 = arith.constant 22 : index
    %swap3A_213 = arith.constant 0 : index
    %swap3A_214 = arith.constant 0 : index
    %swap3A_215 = vector.load %arg2[%swap3A_211, %swap3A_212, %swap3A_213, %swap3A_214] : memref<1x50x64x512xf32, #tpu.memory_space<vmem>>, vector<1x1x64x512xf32>
    %swap3A_216 = vector.shape_cast %swap3A_215 : vector<1x1x64x512xf32> to vector<64x512xf32>
    %swap3A_217 = vector.shape_cast %slice3A_210 : vector<64x512xf32> to vector<1x1x64x512xf32>
    tpu.vector_store %arg2[%swap3A_211, %swap3A_212, %swap3A_213, %swap3A_214], %swap3A_217 {strides = array<i32>} : memref<1x50x64x512xf32, #tpu.memory_space<vmem>>, vector<1x1x64x512xf32>,
    %slice3A_218 = vector.extract_strided_slice %transpose3A_209 {offsets = [64, 0], sizes = [64, 512], strides = [1, 1]} : vector<128x512xf32> to vector<64x512xf32>
    %swap3A_219 = arith.constant 0 : index
    %swap3A_220 = arith.constant 23 : index
    %swap3A_221 = arith.constant 0 : index
    %swap3A_222 = arith.constant 0 : index
    %swap3A_223 = vector.load %arg2[%swap3A_219, %swap3A_220, %swap3A_221, %swap3A_222] : memref<1x50x64x512xf32, #tpu.memory_space<vmem>>, vector<1x1x64x512xf32>
    %swap3A_224 = vector.shape_cast %swap3A_223 : vector<1x1x64x512xf32> to vector<64x512xf32>
    %swap3A_225 = vector.shape_cast %slice3A_218 : vector<64x512xf32> to vector<1x1x64x512xf32>
    tpu.vector_store %arg2[%swap3A_219, %swap3A_220, %swap3A_221, %swap3A_222], %swap3A_225 {strides = array<i32>} : memref<1x50x64x512xf32, #tpu.memory_space<vmem>>, vector<1x1x64x512xf32>,
    %slice3A_226 = vector.extract_strided_slice %reshape3A {offsets = [0, 12, 0], sizes = [512, 1, 128], strides = [1, 1, 1]} : vector<512x25x128xf32> to vector<512x1x128xf32>
    %squeeze3A_227 = vector.shape_cast %slice3A_226 : vector<512x1x128xf32> to vector<512x128xf32>
    %transpose3A_228 = tpu.transpose %squeeze3A_227, [1, 0] : vector<512x128xf32> -> vector<128x512xf32>
    %slice3A_229 = vector.extract_strided_slice %transpose3A_228 {offsets = [0, 0], sizes = [64, 512], strides = [1, 1]} : vector<128x512xf32> to vector<64x512xf32>
    %swap3A_230 = arith.constant 0 : index
    %swap3A_231 = arith.constant 24 : index
    %swap3A_232 = arith.constant 0 : index
    %swap3A_233 = arith.constant 0 : index
    %swap3A_234 = vector.load %arg2[%swap3A_230, %swap3A_231, %swap3A_232, %swap3A_233] : memref<1x50x64x512xf32, #tpu.memory_space<vmem>>, vector<1x1x64x512xf32>
    %swap3A_235 = vector.shape_cast %swap3A_234 : vector<1x1x64x512xf32> to vector<64x512xf32>
    %swap3A_236 = vector.shape_cast %slice3A_229 : vector<64x512xf32> to vector<1x1x64x512xf32>
    tpu.vector_store %arg2[%swap3A_230, %swap3A_231, %swap3A_232, %swap3A_233], %swap3A_236 {strides = array<i32>} : memref<1x50x64x512xf32, #tpu.memory_space<vmem>>, vector<1x1x64x512xf32>,
    %slice3A_237 = vector.extract_strided_slice %transpose3A_228 {offsets = [64, 0], sizes = [64, 512], strides = [1, 1]} : vector<128x512xf32> to vector<64x512xf32>
    %swap3A_238 = arith.constant 0 : index
    %swap3A_239 = arith.constant 25 : index
    %swap3A_240 = arith.constant 0 : index
    %swap3A_241 = arith.constant 0 : index
    %swap3A_242 = vector.load %arg2[%swap3A_238, %swap3A_239, %swap3A_240, %swap3A_241] : memref<1x50x64x512xf32, #tpu.memory_space<vmem>>, vector<1x1x64x512xf32>
    %swap3A_243 = vector.shape_cast %swap3A_242 : vector<1x1x64x512xf32> to vector<64x512xf32>
    %swap3A_244 = vector.shape_cast %slice3A_237 : vector<64x512xf32> to vector<1x1x64x512xf32>
    tpu.vector_store %arg2[%swap3A_238, %swap3A_239, %swap3A_240, %swap3A_241], %swap3A_244 {strides = array<i32>} : memref<1x50x64x512xf32, #tpu.memory_space<vmem>>, vector<1x1x64x512xf32>,
    %slice3A_245 = vector.extract_strided_slice %reshape3A {offsets = [0, 13, 0], sizes = [512, 1, 128], strides = [1, 1, 1]} : vector<512x25x128xf32> to vector<512x1x128xf32>
    %squeeze3A_246 = vector.shape_cast %slice3A_245 : vector<512x1x128xf32> to vector<512x128xf32>
    %transpose3A_247 = tpu.transpose %squeeze3A_246, [1, 0] : vector<512x128xf32> -> vector<128x512xf32>
    %slice3A_248 = vector.extract_strided_slice %transpose3A_247 {offsets = [0, 0], sizes = [64, 512], strides = [1, 1]} : vector<128x512xf32> to vector<64x512xf32>
    %swap3A_249 = arith.constant 0 : index
    %swap3A_250 = arith.constant 26 : index
    %swap3A_251 = arith.constant 0 : index
    %swap3A_252 = arith.constant 0 : index
    %swap3A_253 = vector.load %arg2[%swap3A_249, %swap3A_250, %swap3A_251, %swap3A_252] : memref<1x50x64x512xf32, #tpu.memory_space<vmem>>, vector<1x1x64x512xf32>
    %swap3A_254 = vector.shape_cast %swap3A_253 : vector<1x1x64x512xf32> to vector<64x512xf32>
    %swap3A_255 = vector.shape_cast %slice3A_248 : vector<64x512xf32> to vector<1x1x64x512xf32>
    tpu.vector_store %arg2[%swap3A_249, %swap3A_250, %swap3A_251, %swap3A_252], %swap3A_255 {strides = array<i32>} : memref<1x50x64x512xf32, #tpu.memory_space<vmem>>, vector<1x1x64x512xf32>,
    %slice3A_256 = vector.extract_strided_slice %transpose3A_247 {offsets = [64, 0], sizes = [64, 512], strides = [1, 1]} : vector<128x512xf32> to vector<64x512xf32>
    %swap3A_257 = arith.constant 0 : index
    %swap3A_258 = arith.constant 27 : index
    %swap3A_259 = arith.constant 0 : index
    %swap3A_260 = arith.constant 0 : index
    %swap3A_261 = vector.load %arg2[%swap3A_257, %swap3A_258, %swap3A_259, %swap3A_260] : memref<1x50x64x512xf32, #tpu.memory_space<vmem>>, vector<1x1x64x512xf32>
    %swap3A_262 = vector.shape_cast %swap3A_261 : vector<1x1x64x512xf32> to vector<64x512xf32>
    %swap3A_263 = vector.shape_cast %slice3A_256 : vector<64x512xf32> to vector<1x1x64x512xf32>
    tpu.vector_store %arg2[%swap3A_257, %swap3A_258, %swap3A_259, %swap3A_260], %swap3A_263 {strides = array<i32>} : memref<1x50x64x512xf32, #tpu.memory_space<vmem>>, vector<1x1x64x512xf32>,
    %slice3A_264 = vector.extract_strided_slice %reshape3A {offsets = [0, 14, 0], sizes = [512, 1, 128], strides = [1, 1, 1]} : vector<512x25x128xf32> to vector<512x1x128xf32>
    %squeeze3A_265 = vector.shape_cast %slice3A_264 : vector<512x1x128xf32> to vector<512x128xf32>
    %transpose3A_266 = tpu.transpose %squeeze3A_265, [1, 0] : vector<512x128xf32> -> vector<128x512xf32>
    %slice3A_267 = vector.extract_strided_slice %transpose3A_266 {offsets = [0, 0], sizes = [64, 512], strides = [1, 1]} : vector<128x512xf32> to vector<64x512xf32>
    %swap3A_268 = arith.constant 0 : index
    %swap3A_269 = arith.constant 28 : index
    %swap3A_270 = arith.constant 0 : index
    %swap3A_271 = arith.constant 0 : index
    %swap3A_272 = vector.load %arg2[%swap3A_268, %swap3A_269, %swap3A_270, %swap3A_271] : memref<1x50x64x512xf32, #tpu.memory_space<vmem>>, vector<1x1x64x512xf32>
    %swap3A_273 = vector.shape_cast %swap3A_272 : vector<1x1x64x512xf32> to vector<64x512xf32>
    %swap3A_274 = vector.shape_cast %slice3A_267 : vector<64x512xf32> to vector<1x1x64x512xf32>
    tpu.vector_store %arg2[%swap3A_268, %swap3A_269, %swap3A_270, %swap3A_271], %swap3A_274 {strides = array<i32>} : memref<1x50x64x512xf32, #tpu.memory_space<vmem>>, vector<1x1x64x512xf32>,
    %slice3A_275 = vector.extract_strided_slice %transpose3A_266 {offsets = [64, 0], sizes = [64, 512], strides = [1, 1]} : vector<128x512xf32> to vector<64x512xf32>
    %swap3A_276 = arith.constant 0 : index
    %swap3A_277 = arith.constant 29 : index
    %swap3A_278 = arith.constant 0 : index
    %swap3A_279 = arith.constant 0 : index
    %swap3A_280 = vector.load %arg2[%swap3A_276, %swap3A_277, %swap3A_278, %swap3A_279] : memref<1x50x64x512xf32, #tpu.memory_space<vmem>>, vector<1x1x64x512xf32>
    %swap3A_281 = vector.shape_cast %swap3A_280 : vector<1x1x64x512xf32> to vector<64x512xf32>
    %swap3A_282 = vector.shape_cast %slice3A_275 : vector<64x512xf32> to vector<1x1x64x512xf32>
    tpu.vector_store %arg2[%swap3A_276, %swap3A_277, %swap3A_278, %swap3A_279], %swap3A_282 {strides = array<i32>} : memref<1x50x64x512xf32, #tpu.memory_space<vmem>>, vector<1x1x64x512xf32>,
    %slice3A_283 = vector.extract_strided_slice %reshape3A {offsets = [0, 15, 0], sizes = [512, 1, 128], strides = [1, 1, 1]} : vector<512x25x128xf32> to vector<512x1x128xf32>
    %squeeze3A_284 = vector.shape_cast %slice3A_283 : vector<512x1x128xf32> to vector<512x128xf32>
    %transpose3A_285 = tpu.transpose %squeeze3A_284, [1, 0] : vector<512x128xf32> -> vector<128x512xf32>
    %slice3A_286 = vector.extract_strided_slice %transpose3A_285 {offsets = [0, 0], sizes = [64, 512], strides = [1, 1]} : vector<128x512xf32> to vector<64x512xf32>
    %swap3A_287 = arith.constant 0 : index
    %swap3A_288 = arith.constant 30 : index
    %swap3A_289 = arith.constant 0 : index
    %swap3A_290 = arith.constant 0 : index
    %swap3A_291 = vector.load %arg2[%swap3A_287, %swap3A_288, %swap3A_289, %swap3A_290] : memref<1x50x64x512xf32, #tpu.memory_space<vmem>>, vector<1x1x64x512xf32>
    %swap3A_292 = vector.shape_cast %swap3A_291 : vector<1x1x64x512xf32> to vector<64x512xf32>
    %swap3A_293 = vector.shape_cast %slice3A_286 : vector<64x512xf32> to vector<1x1x64x512xf32>
    tpu.vector_store %arg2[%swap3A_287, %swap3A_288, %swap3A_289, %swap3A_290], %swap3A_293 {strides = array<i32>} : memref<1x50x64x512xf32, #tpu.memory_space<vmem>>, vector<1x1x64x512xf32>,
    %slice3A_294 = vector.extract_strided_slice %transpose3A_285 {offsets = [64, 0], sizes = [64, 512], strides = [1, 1]} : vector<128x512xf32> to vector<64x512xf32>
    %swap3A_295 = arith.constant 0 : index
    %swap3A_296 = arith.constant 31 : index
    %swap3A_297 = arith.constant 0 : index
    %swap3A_298 = arith.constant 0 : index
    %swap3A_299 = vector.load %arg2[%swap3A_295, %swap3A_296, %swap3A_297, %swap3A_298] : memref<1x50x64x512xf32, #tpu.memory_space<vmem>>, vector<1x1x64x512xf32>
    %swap3A_300 = vector.shape_cast %swap3A_299 : vector<1x1x64x512xf32> to vector<64x512xf32>
    %swap3A_301 = vector.shape_cast %slice3A_294 : vector<64x512xf32> to vector<1x1x64x512xf32>
    tpu.vector_store %arg2[%swap3A_295, %swap3A_296, %swap3A_297, %swap3A_298], %swap3A_301 {strides = array<i32>} : memref<1x50x64x512xf32, #tpu.memory_space<vmem>>, vector<1x1x64x512xf32>,
    %slice3A_302 = vector.extract_strided_slice %reshape3A {offsets = [0, 16, 0], sizes = [512, 1, 128], strides = [1, 1, 1]} : vector<512x25x128xf32> to vector<512x1x128xf32>
    %squeeze3A_303 = vector.shape_cast %slice3A_302 : vector<512x1x128xf32> to vector<512x128xf32>
    %transpose3A_304 = tpu.transpose %squeeze3A_303, [1, 0] : vector<512x128xf32> -> vector<128x512xf32>
    %slice3A_305 = vector.extract_strided_slice %transpose3A_304 {offsets = [0, 0], sizes = [64, 512], strides = [1, 1]} : vector<128x512xf32> to vector<64x512xf32>
    %swap3A_306 = arith.constant 0 : index
    %swap3A_307 = arith.constant 32 : index
    %swap3A_308 = arith.constant 0 : index
    %swap3A_309 = arith.constant 0 : index
    %swap3A_310 = vector.load %arg2[%swap3A_306, %swap3A_307, %swap3A_308, %swap3A_309] : memref<1x50x64x512xf32, #tpu.memory_space<vmem>>, vector<1x1x64x512xf32>
    %swap3A_311 = vector.shape_cast %swap3A_310 : vector<1x1x64x512xf32> to vector<64x512xf32>
    %swap3A_312 = vector.shape_cast %slice3A_305 : vector<64x512xf32> to vector<1x1x64x512xf32>
    tpu.vector_store %arg2[%swap3A_306, %swap3A_307, %swap3A_308, %swap3A_309], %swap3A_312 {strides = array<i32>} : memref<1x50x64x512xf32, #tpu.memory_space<vmem>>, vector<1x1x64x512xf32>,
    %slice3A_313 = vector.extract_strided_slice %transpose3A_304 {offsets = [64, 0], sizes = [64, 512], strides = [1, 1]} : vector<128x512xf32> to vector<64x512xf32>
    %swap3A_314 = arith.constant 0 : index
    %swap3A_315 = arith.constant 33 : index
    %swap3A_316 = arith.constant 0 : index
    %swap3A_317 = arith.constant 0 : index
    %swap3A_318 = vector.load %arg2[%swap3A_314, %swap3A_315, %swap3A_316, %swap3A_317] : memref<1x50x64x512xf32, #tpu.memory_space<vmem>>, vector<1x1x64x512xf32>
    %swap3A_319 = vector.shape_cast %swap3A_318 : vector<1x1x64x512xf32> to vector<64x512xf32>
    %swap3A_320 = vector.shape_cast %slice3A_313 : vector<64x512xf32> to vector<1x1x64x512xf32>
    tpu.vector_store %arg2[%swap3A_314, %swap3A_315, %swap3A_316, %swap3A_317], %swap3A_320 {strides = array<i32>} : memref<1x50x64x512xf32, #tpu.memory_space<vmem>>, vector<1x1x64x512xf32>,
    %slice3A_321 = vector.extract_strided_slice %reshape3A {offsets = [0, 17, 0], sizes = [512, 1, 128], strides = [1, 1, 1]} : vector<512x25x128xf32> to vector<512x1x128xf32>
    %squeeze3A_322 = vector.shape_cast %slice3A_321 : vector<512x1x128xf32> to vector<512x128xf32>
    %transpose3A_323 = tpu.transpose %squeeze3A_322, [1, 0] : vector<512x128xf32> -> vector<128x512xf32>
    %slice3A_324 = vector.extract_strided_slice %transpose3A_323 {offsets = [0, 0], sizes = [64, 512], strides = [1, 1]} : vector<128x512xf32> to vector<64x512xf32>
    %swap3A_325 = arith.constant 0 : index
    %swap3A_326 = arith.constant 34 : index
    %swap3A_327 = arith.constant 0 : index
    %swap3A_328 = arith.constant 0 : index
    %swap3A_329 = vector.load %arg2[%swap3A_325, %swap3A_326, %swap3A_327, %swap3A_328] : memref<1x50x64x512xf32, #tpu.memory_space<vmem>>, vector<1x1x64x512xf32>
    %swap3A_330 = vector.shape_cast %swap3A_329 : vector<1x1x64x512xf32> to vector<64x512xf32>
    %swap3A_331 = vector.shape_cast %slice3A_324 : vector<64x512xf32> to vector<1x1x64x512xf32>
    tpu.vector_store %arg2[%swap3A_325, %swap3A_326, %swap3A_327, %swap3A_328], %swap3A_331 {strides = array<i32>} : memref<1x50x64x512xf32, #tpu.memory_space<vmem>>, vector<1x1x64x512xf32>,
    %slice3A_332 = vector.extract_strided_slice %transpose3A_323 {offsets = [64, 0], sizes = [64, 512], strides = [1, 1]} : vector<128x512xf32> to vector<64x512xf32>
    %swap3A_333 = arith.constant 0 : index
    %swap3A_334 = arith.constant 35 : index
    %swap3A_335 = arith.constant 0 : index
    %swap3A_336 = arith.constant 0 : index
    %swap3A_337 = vector.load %arg2[%swap3A_333, %swap3A_334, %swap3A_335, %swap3A_336] : memref<1x50x64x512xf32, #tpu.memory_space<vmem>>, vector<1x1x64x512xf32>
    %swap3A_338 = vector.shape_cast %swap3A_337 : vector<1x1x64x512xf32> to vector<64x512xf32>
    %swap3A_339 = vector.shape_cast %slice3A_332 : vector<64x512xf32> to vector<1x1x64x512xf32>
    tpu.vector_store %arg2[%swap3A_333, %swap3A_334, %swap3A_335, %swap3A_336], %swap3A_339 {strides = array<i32>} : memref<1x50x64x512xf32, #tpu.memory_space<vmem>>, vector<1x1x64x512xf32>,
    %slice3A_340 = vector.extract_strided_slice %reshape3A {offsets = [0, 18, 0], sizes = [512, 1, 128], strides = [1, 1, 1]} : vector<512x25x128xf32> to vector<512x1x128xf32>
    %squeeze3A_341 = vector.shape_cast %slice3A_340 : vector<512x1x128xf32> to vector<512x128xf32>
    %transpose3A_342 = tpu.transpose %squeeze3A_341, [1, 0] : vector<512x128xf32> -> vector<128x512xf32>
    %slice3A_343 = vector.extract_strided_slice %transpose3A_342 {offsets = [0, 0], sizes = [64, 512], strides = [1, 1]} : vector<128x512xf32> to vector<64x512xf32>
    %swap3A_344 = arith.constant 0 : index
    %swap3A_345 = arith.constant 36 : index
    %swap3A_346 = arith.constant 0 : index
    %swap3A_347 = arith.constant 0 : index
    %swap3A_348 = vector.load %arg2[%swap3A_344, %swap3A_345, %swap3A_346, %swap3A_347] : memref<1x50x64x512xf32, #tpu.memory_space<vmem>>, vector<1x1x64x512xf32>
    %swap3A_349 = vector.shape_cast %swap3A_348 : vector<1x1x64x512xf32> to vector<64x512xf32>
    %swap3A_350 = vector.shape_cast %slice3A_343 : vector<64x512xf32> to vector<1x1x64x512xf32>
    tpu.vector_store %arg2[%swap3A_344, %swap3A_345, %swap3A_346, %swap3A_347], %swap3A_350 {strides = array<i32>} : memref<1x50x64x512xf32, #tpu.memory_space<vmem>>, vector<1x1x64x512xf32>,
    %slice3A_351 = vector.extract_strided_slice %transpose3A_342 {offsets = [64, 0], sizes = [64, 512], strides = [1, 1]} : vector<128x512xf32> to vector<64x512xf32>
    %swap3A_352 = arith.constant 0 : index
    %swap3A_353 = arith.constant 37 : index
    %swap3A_354 = arith.constant 0 : index
    %swap3A_355 = arith.constant 0 : index
    %swap3A_356 = vector.load %arg2[%swap3A_352, %swap3A_353, %swap3A_354, %swap3A_355] : memref<1x50x64x512xf32, #tpu.memory_space<vmem>>, vector<1x1x64x512xf32>
    %swap3A_357 = vector.shape_cast %swap3A_356 : vector<1x1x64x512xf32> to vector<64x512xf32>
    %swap3A_358 = vector.shape_cast %slice3A_351 : vector<64x512xf32> to vector<1x1x64x512xf32>
    tpu.vector_store %arg2[%swap3A_352, %swap3A_353, %swap3A_354, %swap3A_355], %swap3A_358 {strides = array<i32>} : memref<1x50x64x512xf32, #tpu.memory_space<vmem>>, vector<1x1x64x512xf32>,
    %slice3A_359 = vector.extract_strided_slice %reshape3A {offsets = [0, 19, 0], sizes = [512, 1, 128], strides = [1, 1, 1]} : vector<512x25x128xf32> to vector<512x1x128xf32>
    %squeeze3A_360 = vector.shape_cast %slice3A_359 : vector<512x1x128xf32> to vector<512x128xf32>
    %transpose3A_361 = tpu.transpose %squeeze3A_360, [1, 0] : vector<512x128xf32> -> vector<128x512xf32>
    %slice3A_362 = vector.extract_strided_slice %transpose3A_361 {offsets = [0, 0], sizes = [64, 512], strides = [1, 1]} : vector<128x512xf32> to vector<64x512xf32>
    %swap3A_363 = arith.constant 0 : index
    %swap3A_364 = arith.constant 38 : index
    %swap3A_365 = arith.constant 0 : index
    %swap3A_366 = arith.constant 0 : index
    %swap3A_367 = vector.load %arg2[%swap3A_363, %swap3A_364, %swap3A_365, %swap3A_366] : memref<1x50x64x512xf32, #tpu.memory_space<vmem>>, vector<1x1x64x512xf32>
    %swap3A_368 = vector.shape_cast %swap3A_367 : vector<1x1x64x512xf32> to vector<64x512xf32>
    %swap3A_369 = vector.shape_cast %slice3A_362 : vector<64x512xf32> to vector<1x1x64x512xf32>
    tpu.vector_store %arg2[%swap3A_363, %swap3A_364, %swap3A_365, %swap3A_366], %swap3A_369 {strides = array<i32>} : memref<1x50x64x512xf32, #tpu.memory_space<vmem>>, vector<1x1x64x512xf32>,
    %slice3A_370 = vector.extract_strided_slice %transpose3A_361 {offsets = [64, 0], sizes = [64, 512], strides = [1, 1]} : vector<128x512xf32> to vector<64x512xf32>
    %swap3A_371 = arith.constant 0 : index
    %swap3A_372 = arith.constant 39 : index
    %swap3A_373 = arith.constant 0 : index
    %swap3A_374 = arith.constant 0 : index
    %swap3A_375 = vector.load %arg2[%swap3A_371, %swap3A_372, %swap3A_373, %swap3A_374] : memref<1x50x64x512xf32, #tpu.memory_space<vmem>>, vector<1x1x64x512xf32>
    %swap3A_376 = vector.shape_cast %swap3A_375 : vector<1x1x64x512xf32> to vector<64x512xf32>
    %swap3A_377 = vector.shape_cast %slice3A_370 : vector<64x512xf32> to vector<1x1x64x512xf32>
    tpu.vector_store %arg2[%swap3A_371, %swap3A_372, %swap3A_373, %swap3A_374], %swap3A_377 {strides = array<i32>} : memref<1x50x64x512xf32, #tpu.memory_space<vmem>>, vector<1x1x64x512xf32>,
    %slice3A_378 = vector.extract_strided_slice %reshape3A {offsets = [0, 20, 0], sizes = [512, 1, 128], strides = [1, 1, 1]} : vector<512x25x128xf32> to vector<512x1x128xf32>
    %squeeze3A_379 = vector.shape_cast %slice3A_378 : vector<512x1x128xf32> to vector<512x128xf32>
    %transpose3A_380 = tpu.transpose %squeeze3A_379, [1, 0] : vector<512x128xf32> -> vector<128x512xf32>
    %slice3A_381 = vector.extract_strided_slice %transpose3A_380 {offsets = [0, 0], sizes = [64, 512], strides = [1, 1]} : vector<128x512xf32> to vector<64x512xf32>
    %swap3A_382 = arith.constant 0 : index
    %swap3A_383 = arith.constant 40 : index
    %swap3A_384 = arith.constant 0 : index
    %swap3A_385 = arith.constant 0 : index
    %swap3A_386 = vector.load %arg2[%swap3A_382, %swap3A_383, %swap3A_384, %swap3A_385] : memref<1x50x64x512xf32, #tpu.memory_space<vmem>>, vector<1x1x64x512xf32>
    %swap3A_387 = vector.shape_cast %swap3A_386 : vector<1x1x64x512xf32> to vector<64x512xf32>
    %swap3A_388 = vector.shape_cast %slice3A_381 : vector<64x512xf32> to vector<1x1x64x512xf32>
    tpu.vector_store %arg2[%swap3A_382, %swap3A_383, %swap3A_384, %swap3A_385], %swap3A_388 {strides = array<i32>} : memref<1x50x64x512xf32, #tpu.memory_space<vmem>>, vector<1x1x64x512xf32>,
    %slice3A_389 = vector.extract_strided_slice %transpose3A_380 {offsets = [64, 0], sizes = [64, 512], strides = [1, 1]} : vector<128x512xf32> to vector<64x512xf32>
    %swap3A_390 = arith.constant 0 : index
    %swap3A_391 = arith.constant 41 : index
    %swap3A_392 = arith.constant 0 : index
    %swap3A_393 = arith.constant 0 : index
    %swap3A_394 = vector.load %arg2[%swap3A_390, %swap3A_391, %swap3A_392, %swap3A_393] : memref<1x50x64x512xf32, #tpu.memory_space<vmem>>, vector<1x1x64x512xf32>
    %swap3A_395 = vector.shape_cast %swap3A_394 : vector<1x1x64x512xf32> to vector<64x512xf32>
    %swap3A_396 = vector.shape_cast %slice3A_389 : vector<64x512xf32> to vector<1x1x64x512xf32>
    tpu.vector_store %arg2[%swap3A_390, %swap3A_391, %swap3A_392, %swap3A_393], %swap3A_396 {strides = array<i32>} : memref<1x50x64x512xf32, #tpu.memory_space<vmem>>, vector<1x1x64x512xf32>,
    %slice3A_397 = vector.extract_strided_slice %reshape3A {offsets = [0, 21, 0], sizes = [512, 1, 128], strides = [1, 1, 1]} : vector<512x25x128xf32> to vector<512x1x128xf32>
    %squeeze3A_398 = vector.shape_cast %slice3A_397 : vector<512x1x128xf32> to vector<512x128xf32>
    %transpose3A_399 = tpu.transpose %squeeze3A_398, [1, 0] : vector<512x128xf32> -> vector<128x512xf32>
    %slice3A_400 = vector.extract_strided_slice %transpose3A_399 {offsets = [0, 0], sizes = [64, 512], strides = [1, 1]} : vector<128x512xf32> to vector<64x512xf32>
    %swap3A_401 = arith.constant 0 : index
    %swap3A_402 = arith.constant 42 : index
    %swap3A_403 = arith.constant 0 : index
    %swap3A_404 = arith.constant 0 : index
    %swap3A_405 = vector.load %arg2[%swap3A_401, %swap3A_402, %swap3A_403, %swap3A_404] : memref<1x50x64x512xf32, #tpu.memory_space<vmem>>, vector<1x1x64x512xf32>
    %swap3A_406 = vector.shape_cast %swap3A_405 : vector<1x1x64x512xf32> to vector<64x512xf32>
    %swap3A_407 = vector.shape_cast %slice3A_400 : vector<64x512xf32> to vector<1x1x64x512xf32>
    tpu.vector_store %arg2[%swap3A_401, %swap3A_402, %swap3A_403, %swap3A_404], %swap3A_407 {strides = array<i32>} : memref<1x50x64x512xf32, #tpu.memory_space<vmem>>, vector<1x1x64x512xf32>,
    %slice3A_408 = vector.extract_strided_slice %transpose3A_399 {offsets = [64, 0], sizes = [64, 512], strides = [1, 1]} : vector<128x512xf32> to vector<64x512xf32>
    %swap3A_409 = arith.constant 0 : index
    %swap3A_410 = arith.constant 43 : index
    %swap3A_411 = arith.constant 0 : index
    %swap3A_412 = arith.constant 0 : index
    %swap3A_413 = vector.load %arg2[%swap3A_409, %swap3A_410, %swap3A_411, %swap3A_412] : memref<1x50x64x512xf32, #tpu.memory_space<vmem>>, vector<1x1x64x512xf32>
    %swap3A_414 = vector.shape_cast %swap3A_413 : vector<1x1x64x512xf32> to vector<64x512xf32>
    %swap3A_415 = vector.shape_cast %slice3A_408 : vector<64x512xf32> to vector<1x1x64x512xf32>
    tpu.vector_store %arg2[%swap3A_409, %swap3A_410, %swap3A_411, %swap3A_412], %swap3A_415 {strides = array<i32>} : memref<1x50x64x512xf32, #tpu.memory_space<vmem>>, vector<1x1x64x512xf32>,
    %slice3A_416 = vector.extract_strided_slice %reshape3A {offsets = [0, 22, 0], sizes = [512, 1, 128], strides = [1, 1, 1]} : vector<512x25x128xf32> to vector<512x1x128xf32>
    %squeeze3A_417 = vector.shape_cast %slice3A_416 : vector<512x1x128xf32> to vector<512x128xf32>
    %transpose3A_418 = tpu.transpose %squeeze3A_417, [1, 0] : vector<512x128xf32> -> vector<128x512xf32>
    %slice3A_419 = vector.extract_strided_slice %transpose3A_418 {offsets = [0, 0], sizes = [64, 512], strides = [1, 1]} : vector<128x512xf32> to vector<64x512xf32>
    %swap3A_420 = arith.constant 0 : index
    %swap3A_421 = arith.constant 44 : index
    %swap3A_422 = arith.constant 0 : index
    %swap3A_423 = arith.constant 0 : index
    %swap3A_424 = vector.load %arg2[%swap3A_420, %swap3A_421, %swap3A_422, %swap3A_423] : memref<1x50x64x512xf32, #tpu.memory_space<vmem>>, vector<1x1x64x512xf32>
    %swap3A_425 = vector.shape_cast %swap3A_424 : vector<1x1x64x512xf32> to vector<64x512xf32>
    %swap3A_426 = vector.shape_cast %slice3A_419 : vector<64x512xf32> to vector<1x1x64x512xf32>
    tpu.vector_store %arg2[%swap3A_420, %swap3A_421, %swap3A_422, %swap3A_423], %swap3A_426 {strides = array<i32>} : memref<1x50x64x512xf32, #tpu.memory_space<vmem>>, vector<1x1x64x512xf32>,
    %slice3A_427 = vector.extract_strided_slice %transpose3A_418 {offsets = [64, 0], sizes = [64, 512], strides = [1, 1]} : vector<128x512xf32> to vector<64x512xf32>
    %swap3A_428 = arith.constant 0 : index
    %swap3A_429 = arith.constant 45 : index
    %swap3A_430 = arith.constant 0 : index
    %swap3A_431 = arith.constant 0 : index
    %swap3A_432 = vector.load %arg2[%swap3A_428, %swap3A_429, %swap3A_430, %swap3A_431] : memref<1x50x64x512xf32, #tpu.memory_space<vmem>>, vector<1x1x64x512xf32>
    %swap3A_433 = vector.shape_cast %swap3A_432 : vector<1x1x64x512xf32> to vector<64x512xf32>
    %swap3A_434 = vector.shape_cast %slice3A_427 : vector<64x512xf32> to vector<1x1x64x512xf32>
    tpu.vector_store %arg2[%swap3A_428, %swap3A_429, %swap3A_430, %swap3A_431], %swap3A_434 {strides = array<i32>} : memref<1x50x64x512xf32, #tpu.memory_space<vmem>>, vector<1x1x64x512xf32>,
    %slice3A_435 = vector.extract_strided_slice %reshape3A {offsets = [0, 23, 0], sizes = [512, 1, 128], strides = [1, 1, 1]} : vector<512x25x128xf32> to vector<512x1x128xf32>
    %squeeze3A_436 = vector.shape_cast %slice3A_435 : vector<512x1x128xf32> to vector<512x128xf32>
    %transpose3A_437 = tpu.transpose %squeeze3A_436, [1, 0] : vector<512x128xf32> -> vector<128x512xf32>
    %slice3A_438 = vector.extract_strided_slice %transpose3A_437 {offsets = [0, 0], sizes = [64, 512], strides = [1, 1]} : vector<128x512xf32> to vector<64x512xf32>
    %swap3A_439 = arith.constant 0 : index
    %swap3A_440 = arith.constant 46 : index
    %swap3A_441 = arith.constant 0 : index
    %swap3A_442 = arith.constant 0 : index
    %swap3A_443 = vector.load %arg2[%swap3A_439, %swap3A_440, %swap3A_441, %swap3A_442] : memref<1x50x64x512xf32, #tpu.memory_space<vmem>>, vector<1x1x64x512xf32>
    %swap3A_444 = vector.shape_cast %swap3A_443 : vector<1x1x64x512xf32> to vector<64x512xf32>
    %swap3A_445 = vector.shape_cast %slice3A_438 : vector<64x512xf32> to vector<1x1x64x512xf32>
    tpu.vector_store %arg2[%swap3A_439, %swap3A_440, %swap3A_441, %swap3A_442], %swap3A_445 {strides = array<i32>} : memref<1x50x64x512xf32, #tpu.memory_space<vmem>>, vector<1x1x64x512xf32>,
    %slice3A_446 = vector.extract_strided_slice %transpose3A_437 {offsets = [64, 0], sizes = [64, 512], strides = [1, 1]} : vector<128x512xf32> to vector<64x512xf32>
    %swap3A_447 = arith.constant 0 : index
    %swap3A_448 = arith.constant 47 : index
    %swap3A_449 = arith.constant 0 : index
    %swap3A_450 = arith.constant 0 : index
    %swap3A_451 = vector.load %arg2[%swap3A_447, %swap3A_448, %swap3A_449, %swap3A_450] : memref<1x50x64x512xf32, #tpu.memory_space<vmem>>, vector<1x1x64x512xf32>
    %swap3A_452 = vector.shape_cast %swap3A_451 : vector<1x1x64x512xf32> to vector<64x512xf32>
    %swap3A_453 = vector.shape_cast %slice3A_446 : vector<64x512xf32> to vector<1x1x64x512xf32>
    tpu.vector_store %arg2[%swap3A_447, %swap3A_448, %swap3A_449, %swap3A_450], %swap3A_453 {strides = array<i32>} : memref<1x50x64x512xf32, #tpu.memory_space<vmem>>, vector<1x1x64x512xf32>,
    %slice3A_454 = vector.extract_strided_slice %reshape3A {offsets = [0, 24, 0], sizes = [512, 1, 128], strides = [1, 1, 1]} : vector<512x25x128xf32> to vector<512x1x128xf32>
    %squeeze3A_455 = vector.shape_cast %slice3A_454 : vector<512x1x128xf32> to vector<512x128xf32>
    %transpose3A_456 = tpu.transpose %squeeze3A_455, [1, 0] : vector<512x128xf32> -> vector<128x512xf32>
    %slice3A_457 = vector.extract_strided_slice %transpose3A_456 {offsets = [0, 0], sizes = [64, 512], strides = [1, 1]} : vector<128x512xf32> to vector<64x512xf32>
    %swap3A_458 = arith.constant 0 : index
    %swap3A_459 = arith.constant 48 : index
    %swap3A_460 = arith.constant 0 : index
    %swap3A_461 = arith.constant 0 : index
    %swap3A_462 = vector.load %arg2[%swap3A_458, %swap3A_459, %swap3A_460, %swap3A_461] : memref<1x50x64x512xf32, #tpu.memory_space<vmem>>, vector<1x1x64x512xf32>
    %swap3A_463 = vector.shape_cast %swap3A_462 : vector<1x1x64x512xf32> to vector<64x512xf32>
    %swap3A_464 = vector.shape_cast %slice3A_457 : vector<64x512xf32> to vector<1x1x64x512xf32>
    tpu.vector_store %arg2[%swap3A_458, %swap3A_459, %swap3A_460, %swap3A_461], %swap3A_464 {strides = array<i32>} : memref<1x50x64x512xf32, #tpu.memory_space<vmem>>, vector<1x1x64x512xf32>,
    %slice3A_465 = vector.extract_strided_slice %transpose3A_456 {offsets = [64, 0], sizes = [64, 512], strides = [1, 1]} : vector<128x512xf32> to vector<64x512xf32>
    %swap3A_466 = arith.constant 0 : index
    %swap3A_467 = arith.constant 49 : index
    %swap3A_468 = arith.constant 0 : index
    %swap3A_469 = arith.constant 0 : index
    %swap3A_470 = vector.load %arg2[%swap3A_466, %swap3A_467, %swap3A_468, %swap3A_469] : memref<1x50x64x512xf32, #tpu.memory_space<vmem>>, vector<1x1x64x512xf32>
    %swap3A_471 = vector.shape_cast %swap3A_470 : vector<1x1x64x512xf32> to vector<64x512xf32>
    %swap3A_472 = vector.shape_cast %slice3A_465 : vector<64x512xf32> to vector<1x1x64x512xf32>
    tpu.vector_store %arg2[%swap3A_466, %swap3A_467, %swap3A_468, %swap3A_469], %swap3A_472 {strides = array<i32>} : memref<1x50x64x512xf32, #tpu.memory_space<vmem>>, vector<1x1x64x512xf32>,
    return
  }
  func.func @transform_0(%arg0: i32) -> (i32, i32) {
    %c0_i32 = arith.constant 0 : i32
    %c0_i32_0 = arith.constant 0 : i32
    return %arg0, %c0_i32 : i32, i32
  }
  func.func @transform_1(%arg0: i32) -> (i32, i32, i32, i32) {
    %c0_i32 = arith.constant 0 : i32
    %c0_i32_0 = arith.constant 0 : i32
    %c0_i32_1 = arith.constant 0 : i32
    %c0_i32_2 = arith.constant 0 : i32
    return %c0_i32, %c0_i32_0, %c0_i32_1, %arg0 : i32, i32, i32, i32
  }
}

</mosaic_0001>

<sc_bundles>
// kernel: kernel.5.cloned.1.call-start
scs
__scs_entry_jumppad:
0x0: {  	(pc) =	sbr.rel $0x88, $3  }
0x1: {  	(tag) =	ssettag $0x0;
	lr =	simm.s32 $0x1  }
0x2: {  	[smem:$0x3F9F] =	sst lr;
	_ =	strace $0xD0000000  }
0x3: {  	_ = 	snop  }
0x4: {  	_ = 	snop  }
0x5: {  	_ = 	snop  }
0x6: {  	_ = 	snop  }
0x7: {  	_ = 	snop  }
__scs_overlays_trampoline_lowered:
0x8: {  	[smem:$0x3FAE] =	sst s0  }
0x9: {  	[smem:$0x3FAF] =	sst s1  }
0xa: {  	[smem:$0x3FB0] =	sst s2  }
0xb: {  	[smem:$0x3FB1] =	sst s3  }
0xc: {  	[smem:$0x3FB2] =	sst s4  }
0xd: {  	[smem:$0x3FB3] =	sst s5  }
0xe: {  	[smem:$0x3FB4] =	sst s6  }
0xf: {  	[smem:$0x3FB5] =	sst s7  }
0x10: {  	[smem:$0x3FB6] =	sst s8  }
0x11: {  	[smem:$0x3FB7] =	sst s9;
	s0 =	simm.s32 @!p0 $0x0  }
0x12: {  	s1 =	sld [smem:$0x3F9D];
	s0 =	simm.s32 @p0 $0x1  }
0x13: {  	[smem:$0x3FB8] =	sst s0;
	s0 =	simm.s32 @!p1 $0x0  }
0x14: {  	s2 =	sld [smem:$0x3F9C];
	s0 =	simm.s32 @p1 $0x1  }
0x15: {  	[smem:$0x3FB9] =	sst s0;
	s0 =	simm.s32 @!p2 $0x0  }
0x16: {  	s3 =	sld [smem:$0x3FDB];
	s0 =	simm.s32 @p2 $0x1  }
0x17: {  	s4 =	simm.s32 $0x1BF5;
	[smem:$0x3FBB] =	sst s0  }
0x18: {  	s0 =	sld [smem:$0x3F9E];
	_ =	swait.ge [sflag:s4], $0x0  }
0x19: {  	s7 =	sld [smem:$0x3F9F]  }
0x1a: {  	s8 =	sadd.s32 $0xFFFFE003, lr  }
0x1b: {  	s9 =	sadd.s32 $0xFFFFFEF7, lr;
	s5 =	simm.s32 $0xFFFFFFFF;
	p2 =	slt.u32 s8, $0xFFFFF086  }
0x1c: {  	p1 =	slt.u32 s9, $0xF7A;
	s5 =	simm.s32 @!p2 $0x0  }
0x1d: {  	s5 =	simm.s32 @p1 $0x1;
	p0 =	seq.s32 s7, s2  }
0x1e: {  	s7 =	smul.u32 @!p0 $0xF7A, s2;
	p2 =	seq.s32 @!p0 s5, $0x0  }
0x1f: {  	s9 =	smul.u32 $0xF7A, s1;
	s8 =	simm.s32 @!p0 $0x1BF5;
	p2 =	por !p2, p0  }
0x20: {  	[sflag:s8] =	ssyncset.s32 @!p0 $0xFFFFF086;
	s6 =	sadd.s32 @!p0 s3, s7;
	s7 =	simm.s32 @!p0 $0x108  }
0x21: {  	s3 =	sadd.s32 s3, s9;
	s6 =	sadd.s32 @!p0 $0x88, s6;
	s7 =	simm.s32 @p2 $0x1082  }
0x22: {  	[simem:s7], [sflag:s8] =	dma.local @!p0 [hbm:s6], $0xF7A  }
0x23: {  	s9 =	sor.u32 $0xD0000000, s2;
	s6 =	simm.s32 $0x108;
	_ =	swait.ge @!p0 [sflag:s8], $0x0  }
0x24: {  	s3 =	sadd.s32 $0x88, s3;
	s6 =	simm.s32 @!p1 $0x1082;
	[sflag:s4] =	ssyncset.s32 $0xFFFFF086  }
0x25: {  	[simem:s6], [sflag:s4] =	dma.local [hbm:s3], $0xF7A  }
0x26: {  	[smem:$0x3F9F] =	sst s1;
	(tag) =	ssettag s2;
	_ =	strace s9  }
0x27: {  	s1 =	sld [smem:$0x3FAF]  }
0x28: {  	s2 =	sld [smem:$0x3FB0]  }
0x29: {  	s4 =	sld [smem:$0x3FB2]  }
0x2a: {  	p0 =	seq.s32 s5, $0x0;
	s5 =	sld [smem:$0x3FB3]  }
0x2b: {  	s6 =	sld [smem:$0x3FB4]  }
0x2c: {  	s7 =	sld [smem:$0x3FB5]  }
0x2d: {  	s3 =	simm.s32 $0x108;
	s8 =	sld [smem:$0x3FB6]  }
0x2e: {  	s3 =	simm.s32 @!p0 $0x1082;
	s9 =	sld [smem:$0x3FB7]  }
0x2f: {  	lr =	sadd.s32 s0, s3;
	s0 =	sld [smem:$0x3FAE]  }
0x30: {  	s3 =	sld [smem:$0x3FB1]  }
0x31: {  	[smem:$0x3FBA] =	sst s10  }
0x32: {  	s10 =	sld [smem:$0x3FB8];
	_ =	sdelay $0x3  }
0x33: {  	p0 =	seq.s32 s10, $0x1;
	s10 =	sld [smem:$0x3FBA];
	_ =	sdelay $0x3  }
0x34: {  	[smem:$0x3FBA] =	sst s10  }
0x35: {  	s10 =	sld [smem:$0x3FB9];
	_ =	sdelay $0x3  }
0x36: {  	p1 =	seq.s32 s10, $0x1;
	s10 =	sld [smem:$0x3FBA];
	_ =	sdelay $0x3  }
0x37: {  	[smem:$0x3FBA] =	sst s10  }
0x38: {  	s10 =	sld [smem:$0x3FBB]  }
0x39: {  	_ = 	snop;
	(pc) =	sbr.ind lr, $3  }
0x3a: {  	_ = 	snop  }
0x3b: {  	_ = 	snop  }
0x3c: {  	p2 =	seq.s32 s10, $0x1;
	s10 =	sld [smem:$0x3FBA]  }
0x3d: {  	_ =	shalt  }
0x3e: {  	_ =	shalt  }
0x3f: {  	_ =	shalt  }
0x40: {  	_ =	shalt  }
0x41: {  	_ =	shalt  }
0x42: {  	_ =	shalt  }
0x43: {  	_ =	shalt  }
0x44: {  	_ =	shalt  }
0x45: {  	_ =	shalt  }
0x46: {  	_ =	shalt  }
0x47: {  	_ =	shalt  }
0x48: {  	_ =	shalt  }
0x49: {  	_ =	shalt  }
0x4a: {  	_ =	shalt  }
0x4b: {  	_ =	shalt  }
0x4c: {  	_ =	shalt  }
0x4d: {  	_ =	shalt  }
0x4e: {  	_ =	shalt  }
0x4f: {  	_ =	shalt  }
0x50: {  	_ =	shalt  }
0x51: {  	_ =	shalt  }
0x52: {  	_ =	shalt  }
0x53: {  	_ =	shalt  }
0x54: {  	_ =	shalt  }
0x55: {  	_ =	shalt  }
0x56: {  	_ =	shalt  }
0x57: {  	_ =	shalt  }
0x58: {  	_ =	shalt  }
0x59: {  	_ =	shalt  }
0x5a: {  	_ =	shalt  }
0x5b: {  	_ =	shalt  }
0x5c: {  	_ =	shalt  }
0x5d: {  	_ =	shalt  }
0x5e: {  	_ =	shalt  }
0x5f: {  	_ =	shalt  }
0x60: {  	_ =	shalt  }
0x61: {  	_ =	shalt  }
0x62: {  	_ =	shalt  }
0x63: {  	_ =	shalt  }
0x64: {  	_ =	shalt  }
0x65: {  	_ =	shalt  }
0x66: {  	_ =	shalt  }
0x67: {  	_ =	shalt  }
0x68: {  	_ =	shalt  }
0x69: {  	_ =	shalt  }
0x6a: {  	_ =	shalt  }
0x6b: {  	_ =	shalt  }
0x6c: {  	_ =	shalt  }
0x6d: {  	_ =	shalt  }
0x6e: {  	_ =	shalt  }
0x6f: {  	_ =	shalt  }
0x70: {  	_ =	shalt  }
0x71: {  	_ =	shalt  }
0x72: {  	_ =	shalt  }
0x73: {  	_ =	shalt  }
0x74: {  	_ =	shalt  }
0x75: {  	_ =	shalt  }
0x76: {  	_ =	shalt  }
0x77: {  	_ =	shalt  }
0x78: {  	_ =	shalt  }
0x79: {  	_ =	shalt  }
0x7a: {  	_ =	shalt  }
0x7b: {  	_ =	shalt  }
0x7c: {  	_ =	shalt  }
0x7d: {  	_ =	shalt  }
0x7e: {  	_ =	shalt  }
0x7f: {  	_ =	shalt  }
0x80: {  	_ =	shalt  }
0x81: {  	_ =	shalt  }
0x82: {  	_ =	shalt  }
0x83: {  	_ =	shalt  }
0x84: {  	_ =	shalt  }
0x85: {  	_ =	shalt  }
0x86: {  	_ =	shalt  }
0x87: {  	_ =	shalt  }
.Lfunc_end0:
.L_simem_size_0:
called_computation_lowered:
.L_overlay_start_0:
0x88: {  	s2 =	sld [smem:$0x3FD9]  }
0x89: {  	s3 =	sld [smem:$0x3FFE];
	_ =	sdelay $0x1  }
0x8a: {  	s1 =	srdreg.scid  }
0x8b: {  	s0 =	sand.u32 $0x1, s1  }
0x8c: {  	s17 =	sshll.u32 s0, $0xA;
	s2 =	sadd.s32 s3, s2  }
0x8d: {  	s2 =	sadd.s32 s2, s17  }
0x8e: {  	[smem:$0x3FC6] =	sst s2  }
0x8f: {  	_ = 	snop  }
0x90: {  	s2 =	sld [smem:$0x3FD0];
	(tm) =	ssettm $0x1  }
0x91: {  	s18 =	sld [smem:$0x3FFB];
	_ =	sdelay $0x3  }
0x92: {  	_ =	strace s18  }
0x93: {  	s3 =	sld [smem:$0x3FFC];
	_ =	sdelay $0x3  }
0x94: {  	_ =	strace s3  }
0x95: {  	s3 =	sld [smem:$0x3FFD];
	_ =	sdelay $0x3  }
0x96: {  	_ =	strace s3  }
0x97: {  	_ =	strace $0x8FFFFFFF  }
0x98: {  	s19 =	sld [smem:$0x3FDB];
	_ =	sdelay $0x1  }
0x99: {  	s4 =	simm.s32 $_scs_section_size  }
0x9a: {  	s5 =	simm.s32 $_size__tile_overlayer_lowered;
	s6 =	simm.s32 $_tile_overlayer_lowered  }
0x9b: {  	s22 =	simm.s32 $0x1BFF;
	s21 =	sshll.u32 s6, $0x1;
	s3 =	sadd.s32 s4, s19  }
0x9c: {  	s7 =	simm.s32 $0x0;
	s20 =	sshll.u32 s5, $0x1;
	s5 =	sadd.s32 s21, s3  }
0x9d: {  	[timem:s7], [sflag:s22] =	dma.local [hbm:s5], s20  }
0x9e: {  	_ =	swait.ge [sflag:s22], s20  }
0x9f: {  	s4 =	ssub.s32 $0x0, s20;
	[sflag:s22] =	ssyncset.done $0x0  }
0xa0: {  	[sflag:s22] =	ssyncadd.s32 s4;
	_ =	sdelay $0x1  }
0xa1: {  	s23 =	simm.s32 $0x1B8B  }
0xa2: {  	_ =	swait.ge [sflag:s23], $0x1  }
0xa3: {  	[sflag:s23] =	ssyncset.done $0x0  }
0xa4: {  	s25 =	simm.s32 $0x1B8E;
	s24 =	sld [smem:$0x3FFE];
	[sflag:s23] =	ssyncadd.s32 $0xFFFFFFFF  }
0xa5: {  	s26 =	simm.s32 $execute0_lowered;
	[smem:$0x3FD2] =	sst s25  }
0xa6: {  	s5 =	sshll.u32 s26, $0x1;
	_ =	strace $0x80000046;
	[dreg:$0x1] =	wrdreg $0xFFFFFFFF  }
0xa7: {  	s28 =	simm.s32 $_size_execute0_lowered;
	s3 =	sadd.s32 s3, s5;
	[dreg:$0x0] =	wrdreg $0x0  }
0xa8: {  	s5 =	sshll.u32 s28, $0x1;
	[dreg:$0x2] =	wrdreg s3  }
0xa9: {  	[dreg:$0x3] =	wrdreg s5  }
0xaa: {  	[dreg:$0x4] =	wrdreg $0xC0  }
0xab: {  	_ =	task [dreg:s7], $0x5FFFF  }
0xac: {  	[dreg:$0x1] =	wrdreg $0xFFFFFFFF  }
0xad: {  	[dreg:$0x0] =	wrdreg $0x60  }
0xae: {  	[dreg:$0x2] =	wrdreg s24  }
0xaf: {  	[dreg:$0x3] =	wrdreg s2  }
0xb0: {  	[dreg:$0x4] =	wrdreg $0x9  }
0xb1: {  	_ =	task.clear_ibuf [dreg:s7], $0x5FFFF;
	_ =	strace $0x90000046  }
0xb2: {  	s29 =	simm.s32 $0x9;
	_ =	strace $0x80000048  }
0xb3: {  	_ =	swait.ge [sflag:s29], $0x1  }
0xb4: {  	[sflag:s29] =	ssyncadd.s32 $0xFFFFFFFF  }
0xb5: {  	_ =	strace $0x90000048  }
0xb6: {  	_ =	sfence  }
0xb7: {  	s30 =	sld [smem:$0x0];
	_ =	sdelay $0x2  }
0xb8: {  	s31 =	sshll.u32 s1, $0xD;
	s1 =	sshrl.u32 s1, $0x2  }
0xb9: {  	s3 =	sand.u32 $0x4000, s31;
	s1 =	sadd.s32 s1, s30  }
0xba: {  	s0 =	sor.u32 s3, s0;
	s1 =	sshll.u32 s1, $0x11  }
0xbb: {  	s0 =	sor.u32 s1, s0  }
0xbc: {  	s0 =	sadd.s32 $0x8F2B, s0  }
0xbd: {  	[sflag:s0] =	ssyncadd.remote.s32 $0x1  }
0xbe: {  	_ =	sfence.sel $0xFFFF  }
0xbf: {  	[dreg:$0x0] =	wrdreg $0xFFFFFFFF;
	(pc) =	sbr.abs _section_cstart, $3  }
0xc0: {  	[dreg:$0x1] =	wrdreg $0xFFFFFFFF  }
0xc1: {  	_ =	task.clear_ibuf [dreg:s7], $0x2FFFF;
	_ =	strace $0x9FFFFFFF  }
0xc2: {  	(tm) =	ssettm $0x7FFFFFFF  }
0xc3: {  	_ =	shalt  }
tec
execute0_lowered:
.L_overlay_start_1:
0x0: {  	(tag) =	ssettag $0x1  }
0x1: {  	s0 =	srdreg.scid  }
0x2: {  	s6 =	stileid.u32;
	s4 =	rddreg [dreg:$0x0]  }
0x3: {  	s2 =	rddreg [dreg:$0x1];
	s3 =	simm.s32 $0x0;
	s11 =	simm.s32 $0x9  }
0x4: {  	s12 =	simm.s32 $0x80;
	s13 =	simm.s32 $0x1900;
	s14 =	simm.s32 $0x3900  }
0x5: {  	s16 =	simm.s32 $0x5900;
	s18 =	simm.s32 $0x7900;
	s19 =	simm.s32 $0x1  }
0x6: {  	s28 =	simm.s32 $0x4;
	s29 =	simm.s32 $0x6;
	s30 =	simm.s32 $0x7  }
0x7: {  	s0 =	sand.u32 $0x1, s0;
	s1 =	sshll.u32 s6, $0x1;
	s6 =	smul.u32 $0xC8000, s6  }
0x8: {  	s1 =	sor.u32 s0, s1;
	s7 =	ssub.s32 $0x2, s0;
	s0 =	smul.u32 $0x64000, s0  }
0x9: {  	s31 =	simm.s32 $0x8;
	[smem:$0x7FF] =	sst s3;
	s5 =	smul.u32 $0x320, s1  }
0xa: {  	s8 =	sadd.s32 $0x6800, s4;
	_ =	strace $0x80000047;
	s1 =	smul.u32 $0x64000, s1  }
0xb: {  	s20 =	sshrl.u32 s7, $0x1;
	s0 =	sadd.s32 s0, s6;
	s5 =	sadd.s32 s5, s4  }
0xc: {  	s4 =	ssub.s32 s7, s20;
	s1 =	sshrl.u32 s1, $0x3;
	s21 =	sadd.s32 $0x4000, s0  }
0xd: {  	s24 =	sadd.s32 $0xC000, s0;
	s25 =	sadd.s32 $0x8000, s0;
	s0 =	sshrl.u32 s0, $0x3  }
0xe: {  	s20 =	simm.s32 $0x9900;
	s5 =	sadd.s32 $0x400, s5;
	s1 =	sadd.s32 s8, s1  }
0xf: {  	s22 =	smax.u32 s4, $0x1;
	s23 =	sshrl.u32 s21, $0x3;
	s26 =	sshrl.u32 s25, $0x3  }
0x10: {  	s4 =	sadd.s32 s0, s8;
	s21 =	simm.s32 $0xB900;
	s25 =	simm.s32 $0x3  }
.Ltmp0:
0x11: {  	[dreg:$0x3] =	wrdreg s5;
	s1 =	sadd.s32 $0xC000, s1;
	(pc) =	sbr.rel .LBB2_1-.Ltmp0, $4  }
0x12: {  	[dreg:$0x5] =	wrdreg s22;
	s0 =	sadd.s32 s26, s8;
	s22 =	simm.s32 $0x2  }
0x13: {  	s26 =	simm.s32 $0x5;
	[dreg:$0x4] =	wrdreg s1;
	s1 =	sadd.s32 s23, s8  }
0x14: {  	s23 =	simm.s32 $0xD900;
	[dreg:$0x6] =	wrdreg s1;
	s1 =	sshrl.u32 s24, $0x3  }
0x15: {  	s24 =	simm.s32 $0xF900;
	s17 =	sadd.s32 s1, s8;
	s1 =	simm.s32 $0x0  }
.LBB2_4:
0x16: {  	_ =	swait.ge [sflag:s19], $0x2000  }
0x17: {  	[sflag:s19] =	ssyncset.done $0x0  }
0x18: {  	[sflag:s19] =	ssyncadd.s32 $0xFFFFE000  }
0x19: {  	_ =	swait.ge [sflag:s19], $0x2000  }
0x1a: {  	[sflag:s19] =	ssyncset.done $0x0  }
0x1b: {  	s5 =	rddreg [dreg:$0x4];
	[sflag:s19] =	ssyncadd.s32 $0xFFFFE000  }
0x1c: {  	[hbm4b:s5+s3] =	stream.linear.scatter [tilespmem:s13], [sflag:$0x5], $0x4000, $0x38;
	[tilespmem:$0x11900] =	vst v63  }
0x1d: {  	_ =	swait.ge [sflag:s29], $0x4000  }
0x1e: {  	[sflag:s29] =	ssyncset.done $0x0  }
0x1f: {  	[sflag:s29] =	ssyncadd.s32 $0xFFFFC000  }
0x20: {  	_ =	swait.ge [sflag:s30], $0x4000  }
0x21: {  	[sflag:s30] =	ssyncset.done $0x0  }
0x22: {  	[sflag:s30] =	ssyncadd.s32 $0xFFFFC000  }
0x23: {  	_ =	swait.ge [sflag:s31], $0x4000  }
0x24: {  	[sflag:s31] =	ssyncset.done $0x0  }
0x25: {  	[sflag:s31] =	ssyncadd.s32 $0xFFFFC000  }
0x26: {  	_ =	swait.ge [sflag:s26], $0x4000  }
0x27: {  	s1 =	sadd.s32 $0x1, s1;
	s15 =	rddreg [dreg:$0x5]  }
0x28: {  	p0 =	sne.s32 s1, s15  }
.Ltmp1:
0x29: {  	_ = 	snop;
	(pc) =	sbr.rel @!p0 .LBB2_5-.Ltmp1, $3  }
0x2a: {  	_ =	sdelay $0x1  }
0x2b: {  	[sflag:s26] =	ssyncset.done $0x0  }
0x2c: {  	[sflag:s26] =	ssyncadd.s32 $0xFFFFC000  }
.LBB2_1:
0x2d: {  	s5 =	rddreg [dreg:$0x3]  }
0x2e: {  	[tilespmem:s3], [sflag:$0x9] =	stream.linear.gather [hbm4b:s5+s3], $0x1900, $0x38;
	[tilespmem:$0x11900] =	vst v63  }
0x2f: {  	_ =	swait.ge [sflag:s11], $0x1900  }
0x30: {  	[sflag:s11] =	ssyncset.done $0x0  }
0x31: {  	[sflag:s11] =	ssyncadd.s32 $0xFFFFE700  }
0x32: {  	[tilespmem:s13], [sflag:$0x1] =	stream.indirect.gather [hbm4b:s2+s12], $0x40, s3, s12, $0xb8;
	[tilespmem:$0x11900] =	vst v63  }
0x33: {  	_ = 	snop  }
0x34: {  	[tilespmem:s14], [sflag:$0x1] =	stream.indirect.gather [hbm4b:s2+s12], $0x40, s12, s12, $0xb8;
	[tilespmem:$0x11900] =	vst v63  }
0x35: {  	s10 =	simm.s32 $0x100  }
0x36: {  	[tilespmem:s16], [sflag:$0x2] =	stream.indirect.gather [hbm4b:s2+s12], $0x40, s10, s12, $0xb8;
	[tilespmem:$0x11900] =	vst v63  }
0x37: {  	s15 =	simm.s32 $0x180;
	s9 =	smov.u32 s17;
	s8 =	smov.u32 s4  }
0x38: {  	[tilespmem:s18], [sflag:$0x2] =	stream.indirect.gather [hbm4b:s2+s12], $0x40, s15, s12, $0xb8;
	[tilespmem:$0x11900] =	vst v63  }
0x39: {  	s7 =	rddreg [dreg:$0x6];
	s10 =	smov.u32 s0;
	s15 =	simm.s32 $0x0  }
.LBB2_2:
0x3a: {  	_ =	swait.ge [sflag:s19], $0x2000  }
0x3b: {  	[sflag:s19] =	ssyncset.done $0x0  }
0x3c: {  	[sflag:s19] =	ssyncadd.s32 $0xFFFFE000  }
0x3d: {  	_ =	swait.ge [sflag:s19], $0x2000  }
0x3e: {  	p0 =	seq.s32 s15, $0x0;
	[sflag:s19] =	ssyncset.done $0x0  }
0x3f: {  	s5 =	simm.s32 @!p0 $0x7;
	[sflag:s19] =	ssyncadd.s32 $0xFFFFE000  }
0x40: {  	[hbm4b:s8+s3] =	stream.linear.scatter [tilespmem:s13], [sflag:$0x5], $0x4000, $0x38;
	[tilespmem:$0x11900] =	vst v63  }
0x41: {  	_ =	swait.ge @!p0 [sflag:s5], $0x4000  }
0x42: {  	s6 =	sshra.s32 s15, $0x2;
	[sflag:s5] =	ssyncset.done @!p0 $0x0  }
0x43: {  	[sflag:s5] =	ssyncadd.s32 @!p0 $0xFFFFC000;
	s5 =	sadd.s32 $0x200, s6  }
0x44: {  	[tilespmem:s20], [sflag:$0x3] =	stream.indirect.gather [hbm4b:s2+s12], $0x40, s5, s12, $0xb8;
	[tilespmem:$0x11900] =	vst v63  }
0x45: {  	s5 =	sadd.s32 $0x280, s6  }
0x46: {  	[tilespmem:s21], [sflag:$0x3] =	stream.indirect.gather [hbm4b:s2+s12], $0x40, s5, s12, $0xb8;
	[tilespmem:$0x11900] =	vst v63  }
0x47: {  	_ =	swait.ge [sflag:s22], $0x2000  }
0x48: {  	[sflag:s22] =	ssyncset.done $0x0  }
0x49: {  	[sflag:s22] =	ssyncadd.s32 $0xFFFFE000  }
0x4a: {  	_ =	swait.ge [sflag:s22], $0x2000  }
0x4b: {  	[sflag:s22] =	ssyncset.done $0x0  }
0x4c: {  	s5 =	simm.s32 @!p0 $0x8;
	[sflag:s22] =	ssyncadd.s32 $0xFFFFE000  }
0x4d: {  	[hbm4b:s7+s3] =	stream.linear.scatter [tilespmem:s16], [sflag:$0x6], $0x4000, $0x38;
	[tilespmem:$0x11900] =	vst v63  }
0x4e: {  	_ =	swait.ge @!p0 [sflag:s5], $0x4000  }
0x4f: {  	[sflag:s5] =	ssyncset.done @!p0 $0x0  }
0x50: {  	[sflag:s5] =	ssyncadd.s32 @!p0 $0xFFFFC000;
	s5 =	sadd.s32 $0x300, s6  }
0x51: {  	[tilespmem:s23], [sflag:$0x4] =	stream.indirect.gather [hbm4b:s2+s12], $0x40, s5, s12, $0xb8;
	[tilespmem:$0x11900] =	vst v63  }
0x52: {  	s5 =	sadd.s32 $0x380, s6  }
0x53: {  	[tilespmem:s24], [sflag:$0x4] =	stream.indirect.gather [hbm4b:s2+s12], $0x40, s5, s12, $0xb8;
	[tilespmem:$0x11900] =	vst v63  }
0x54: {  	_ =	swait.ge [sflag:s25], $0x2000  }
0x55: {  	[sflag:s25] =	ssyncset.done $0x0  }
0x56: {  	[sflag:s25] =	ssyncadd.s32 $0xFFFFE000  }
0x57: {  	_ =	swait.ge [sflag:s25], $0x2000  }
0x58: {  	[sflag:s25] =	ssyncset.done $0x0  }
0x59: {  	[sflag:s25] =	ssyncadd.s32 $0xFFFFE000  }
0x5a: {  	[hbm4b:s10+s3] =	stream.linear.scatter [tilespmem:s20], [sflag:$0x7], $0x4000, $0x38;
	[tilespmem:$0x11900] =	vst v63  }
0x5b: {  	_ =	swait.ge [sflag:s26], $0x4000  }
0x5c: {  	[sflag:s26] =	ssyncset.done $0x0  }
0x5d: {  	s5 =	sadd.s32 $0x400, s6;
	[sflag:s26] =	ssyncadd.s32 $0xFFFFC000  }
0x5e: {  	[tilespmem:s13], [sflag:$0x1] =	stream.indirect.gather [hbm4b:s2+s12], $0x40, s5, s12, $0xb8;
	[tilespmem:$0x11900] =	vst v63  }
0x5f: {  	s5 =	sadd.s32 $0x480, s6  }
0x60: {  	[tilespmem:s14], [sflag:$0x1] =	stream.indirect.gather [hbm4b:s2+s12], $0x40, s5, s12, $0xb8;
	[tilespmem:$0x11900] =	vst v63  }
0x61: {  	_ =	swait.ge [sflag:s28], $0x2000  }
0x62: {  	p0 =	seq.s32 s15, $0x5000;
	[sflag:s28] =	ssyncset.done $0x0  }
.Ltmp2:
0x63: {  	[sflag:s28] =	ssyncadd.s32 $0xFFFFE000;
	(pc) =	sbr.rel @p0 .LBB2_4-.Ltmp2, $4  }
0x64: {  	_ =	swait.ge [sflag:s28], $0x2000  }
0x65: {  	[sflag:s28] =	ssyncset.done $0x0  }
0x66: {  	[sflag:s28] =	ssyncadd.s32 $0xFFFFE000  }
0x67: {  	[hbm4b:s9+s3] =	stream.linear.scatter [tilespmem:s23], [sflag:$0x8], $0x4000, $0x38;
	[tilespmem:$0x11900] =	vst v63  }
0x68: {  	_ =	swait.ge [sflag:s29], $0x4000;
	s5 =	sadd.s32 $0x500, s6  }
.Ltmp3:
0x69: {  	s6 =	sadd.s32 $0x580, s6;
	[sflag:s29] =	ssyncset.done $0x0;
	(pc) =	sbr.rel .LBB2_2-.Ltmp3, $4  }
0x6a: {  	s7 =	sadd.s32 $0x2000, s7;
	s8 =	sadd.s32 $0x2000, s8;
	[sflag:s29] =	ssyncadd.s32 $0xFFFFC000  }
0x6b: {  	[tilespmem:s16], [sflag:$0x2] =	stream.indirect.gather [hbm4b:s2+s12], $0x40, s5, s12, $0xb8;
	[tilespmem:$0x11900] =	vst v63  }
0x6c: {  	s9 =	sadd.s32 $0x2000, s9;
	s15 =	sadd.s32 $0x1000, s15;
	s10 =	sadd.s32 $0x2000, s10  }
0x6d: {  	[tilespmem:s18], [sflag:$0x2] =	stream.indirect.gather [hbm4b:s2+s12], $0x40, s6, s12, $0xb8;
	[tilespmem:$0x11900] =	vst v63  }
.LBB2_5:
0x6e: {  	_ =	sfence.sel $0x180000  }
0x6f: {  	[bflag:$0x0] =	sbarrier.arrive $0xFFFF  }
0x70: {  	_ =	strace $0x90000047  }
0x71: {  	s0 =	stileid.u32;
	[bflag:$0x2] =	sbarrier.arrive $0xFFFF  }
0x72: {  	p0 =	sne.s32 s0, $0x0;
	s0 =	rddreg [dreg:$0x2]  }
0x73: {  	s0 =	sadd.s32 @!p0 $0x100000, s0  }
0x74: {  	[sflag:s0] =	ssyncadd.tile.s32 @!p0 $0x1;
	_ =	shalt  }
.Lfunc_end2:
_tile_overlayer_lowered:
.L_overlay_start_2:
0x75: {  	(tag) =	ssettag $0x2  }
0x76: {  	s0 =	rddreg [dreg:$0x0];
	s2 =	stileid.u32  }
0x77: {  	s1 =	rddreg [dreg:$0x1];
	p0 =	sne.s32 s2, $0x0  }
0x78: {  	s3 =	rddreg [dreg:$0x2];
	[bflag:$0x3] =	sbarrier.arrive $0xFFFF;
	s2 =	simm.s32 @!p0 $0x1C09  }
0x79: {  	[timem:s3], [sflag:s2] =	dma.local @!p0 [hbm:s0], s1  }
0x7a: {  	s0 =	simm.s32 @!p0 $0x9  }
0x7b: {  	_ =	swait.ge @!p0 [sflag:s0], s1  }
0x7c: {  	s1 =	ssub.s32 @!p0 $0x0, s1;
	[sflag:s0] =	ssyncset.done @!p0 $0x0  }
0x7d: {  	[sflag:s0] =	ssyncadd.s32 @!p0 s1  }
0x7e: {  	[bflag:$0x3] =	sbarrier.arrive $0xFFFF  }
0x7f: {  	_ =	shalt  }

</sc_bundles>
